<compile_context>
chip_gen: v7x
topology: tpu7x:2x2x1
jax: 0.10.2.dev20260603
libtpu: 0.0.44.dev20260713+nightly
codegen_flags: <defaults>
</compile_context>

<pallas_src>
import functools

import jax
import jax.numpy as jnp
from jax import lax
from jax.experimental import pallas as pl
from jax.experimental.pallas import tpu as pltpu
from jax.experimental.pallas import tpu_sc as plsc

N = 10000
F_IN = 128
HID = 128
CLS = 40
CLS_PAD = 48

NC, NS, L = 2, 16, 16
NW = NC * NS
N_PAD = 10240
E = 320000
EW = 10240
E_PAD = NW * EW
B = 128
NCH = EW // B
DEG_CH = 2048

_mesh = plsc.VectorSubcoreMesh(core_axis_name="c", subcore_axis_name="s")


@functools.partial(
    pl.kernel,
    out_type=jax.ShapeDtypeStruct((NW, N_PAD), jnp.float32),
    mesh=_mesh,
    compiler_params=pltpu.CompilerParams(needs_layout_passes=False),
    scratch_types=[
        pltpu.VMEM((DEG_CH,), jnp.int32),
        pltpu.VMEM((N_PAD,), jnp.float32),
    ],
)
def _deg_kernel(dst_hbm, deg_out, idx_v, deg_v):
    c = lax.axis_index("c")
    s = lax.axis_index("s")
    wid = s * NC + c

    def zero_body(j, _):
        deg_v[pl.ds(j * L, L)] = jnp.zeros((L,), jnp.float32)
        return _

    lax.fori_loop(0, N_PAD // L, zero_body, None)

    ones = jnp.ones((L,), jnp.float32)
    ebase = wid * EW

    def chunk_body(ci, _):
        pltpu.sync_copy(dst_hbm.at[pl.ds(ebase + ci * DEG_CH, DEG_CH)], idx_v)

        def grp_body(g, __):
            idx = idx_v[pl.ds(g * L, L)]
            plsc.addupdate_scatter(deg_v, [idx], ones)
            return __

        lax.fori_loop(0, DEG_CH // L, grp_body, None)
        return _

    lax.fori_loop(0, EW // DEG_CH, chunk_body, None)
    pltpu.sync_copy(deg_v, deg_out.at[wid])


def _make_prop(D, SF):
    zr = 16
    HF = NCH // SF

    @functools.partial(
        pl.kernel,
        out_type=jax.ShapeDtypeStruct((NC, N_PAD, D), jnp.float32),
        mesh=_mesh,
        compiler_params=pltpu.CompilerParams(
            needs_layout_passes=False, use_tc_tiling_on_sc=False
        ),
        scratch_types=[
            pltpu.VMEM((HF, B), jnp.int32),
            pltpu.VMEM((HF, B), jnp.int32),
            pltpu.VMEM((B, D), jnp.float32),
            pltpu.VMEM((B, D), jnp.float32),
            pltpu.VMEM((zr, D), jnp.float32),
            pltpu.VMEM_SHARED((N_PAD, D), jnp.float32),
            pltpu.SemaphoreType.DMA,
            pltpu.SemaphoreType.DMA,
        ],
    )
    def prop(
        hs_hbm, src_hbm, dst_hbm, out_hbm,
        sidx, didx, rows0, rows1, zbuf, acc_sh, sg0, sg1,
    ):
        c = lax.axis_index("c")
        s = lax.axis_index("s")
        wid = s * NC + c

        def zb_body(j, _):
            zbuf[j // (D // L), pl.ds((j % (D // L)) * L, L)] = jnp.zeros(
                (L,), jnp.float32
            )
            return _

        lax.fori_loop(0, zr * (D // L), zb_body, None)

        rows_per_tile = N_PAD // NS

        def zs_body(k, _):
            pltpu.sync_copy(zbuf, acc_sh.at[pl.ds(s * rows_per_tile + k * zr, zr)])
            return _

        lax.fori_loop(0, rows_per_tile // zr, zs_body, None)
        plsc.subcore_barrier()

        for h in range(SF):
            pltpu.sync_copy(src_hbm.at[wid].at[pl.ds(h * HF, HF)], sidx)
            pltpu.sync_copy(dst_hbm.at[wid].at[pl.ds(h * HF, HF)], didx)
            pltpu.async_copy(hs_hbm.at[sidx.at[0]], rows0, sg0)

            def pair_body(p, _):
                ci0 = 2 * p
                pltpu.async_copy(hs_hbm.at[sidx.at[ci0 + 1]], rows1, sg1)
                pltpu.make_async_copy(hs_hbm.at[sidx.at[ci0]], rows0, sg0).wait()
                pltpu.sync_copy(rows0, acc_sh.at[didx.at[ci0]], add=True)

                @pl.when(p < HF // 2 - 1)
                def _start_next():
                    pltpu.async_copy(hs_hbm.at[sidx.at[ci0 + 2]], rows0, sg0)

                pltpu.make_async_copy(hs_hbm.at[sidx.at[ci0 + 1]], rows1, sg1).wait()
                pltpu.sync_copy(rows1, acc_sh.at[didx.at[ci0 + 1]], add=True)
                return _

            lax.fori_loop(0, HF // 2, pair_body, None)
        plsc.subcore_barrier()

        r0 = s * rows_per_tile
        pltpu.sync_copy(
            acc_sh.at[pl.ds(r0, rows_per_tile)],
            out_hbm.at[c].at[pl.ds(r0, rows_per_tile)],
        )

    return prop


_prop128 = _make_prop(HID, 2)
_prop48 = _make_prop(CLS_PAD, 1)


def _tc1_body(x_ref, w1_ref, degp_ref, hs1_ref, dinv_ref):
    deg = jnp.sum(degp_ref[...], axis=0)[:N] + 1.0
    dinv = lax.rsqrt(jnp.clip(deg, 1.0, None))
    h = jnp.dot(x_ref[...], w1_ref[...], preferred_element_type=jnp.float32)
    hs1_ref[pl.ds(0, N), :] = h * dinv[:, None]
    hs1_ref[pl.ds(N, N_PAD - N), :] = jnp.zeros((N_PAD - N, HID), jnp.float32)
    dinv_ref[...] = dinv[:, None]


def _tc2_body(acc_ref, hs1_ref, dinv_ref, b1_ref, w2_ref, hs2_ref):
    dinv = dinv_ref[...]
    tot = acc_ref[0, pl.ds(0, N), :] + acc_ref[1, pl.ds(0, N), :] + hs1_ref[pl.ds(0, N), :]
    h1 = jnp.maximum(tot * dinv + b1_ref[...], 0.0)
    h2 = jnp.dot(h1, w2_ref[...], preferred_element_type=jnp.float32)
    hs2_ref[pl.ds(0, N), :] = h2 * dinv
    hs2_ref[pl.ds(N, N_PAD - N), :] = jnp.zeros((N_PAD - N, CLS_PAD), jnp.float32)


def _tc3_body(acc_ref, hs2_ref, dinv_ref, b2_ref, out_ref):
    dinv = dinv_ref[...]
    tot = acc_ref[0, pl.ds(0, N), :] + acc_ref[1, pl.ds(0, N), :] + hs2_ref[pl.ds(0, N), :]
    o = tot * dinv + b2_ref[...]
    mask = lax.broadcasted_iota(jnp.int32, (1, CLS_PAD), 1) < CLS
    o = jnp.where(mask, o, -1e30)
    m = jnp.max(o, axis=1, keepdims=True)
    z = o - m
    lse = jnp.log(jnp.sum(jnp.exp(z), axis=1, keepdims=True))
    out_ref[...] = z - lse


def kernel(x, edge_index, W1, b1, W2, b2):
    src = jnp.concatenate(
        [edge_index[0], jnp.full((E_PAD - E,), N, jnp.int32)]
    )
    dst = jnp.concatenate(
        [edge_index[1], jnp.full((E_PAD - E,), N, jnp.int32)]
    )
    srcr = src.reshape(NW, NCH, B)
    dstr = dst.reshape(NW, NCH, B)
    w2p = jnp.pad(W2, ((0, 0), (0, CLS_PAD - CLS)))
    b1r = b1.reshape(1, HID)
    b2r = jnp.pad(b2, (0, CLS_PAD - CLS)).reshape(1, CLS_PAD)

    deg_parts = _deg_kernel(dst)

    hs1, dinv = pl.pallas_call(
        _tc1_body,
        out_shape=(
            jax.ShapeDtypeStruct((N_PAD, HID), jnp.float32),
            jax.ShapeDtypeStruct((N, 1), jnp.float32),
        ),
    )(x, W1, deg_parts)

    acc1 = _prop128(hs1, srcr, dstr)

    hs2 = pl.pallas_call(
        _tc2_body,
        out_shape=jax.ShapeDtypeStruct((N_PAD, CLS_PAD), jnp.float32),
    )(acc1, hs1, dinv, b1r, w2p)

    acc2 = _prop48(hs2, srcr, dstr)

    out = pl.pallas_call(
        _tc3_body,
        out_shape=jax.ShapeDtypeStruct((N, CLS_PAD), jnp.float32),
    )(acc2, hs2, dinv, b2r)

    return out[:, :CLS]

# --- scband reference (transcript-rebuilt; emitter-appended) ---
"""Pipeline reference for scband-my-net-31413390803530 (READ-ONLY COPY).

The authoritative reference and input builder live on the scoring server;
editing this copy changes nothing except your own understanding.
"""

import jax, jax.numpy as jnp
import numpy as np

N = 10000
E = 320000
F_IN = 128
HID = 128
CLS = 40


def setup_inputs(seed: int = 0) -> dict:
    key = jax.random.key(seed)
    k1, k2, k3, k4 = jax.random.split(key, 4)
    x = jax.random.normal(k1, (N, F_IN), dtype=jnp.float32)
    edge_index = jax.random.randint(k2, (2, E), 0, N, dtype=jnp.int32)
    W1 = jax.random.normal(k3, (F_IN, HID), dtype=jnp.float32) * 0.05
    b1 = jnp.zeros((HID,), dtype=jnp.float32)
    W2 = jax.random.normal(k4, (HID, CLS), dtype=jnp.float32) * 0.05
    b2 = jnp.zeros((CLS,), dtype=jnp.float32)
    return {"x": x, "edge_index": edge_index, "W1": W1, "b1": b1, "W2": W2, "b2": b2}


def gcn_conv(x, edge_index, W, b):
    # GCNConv: add self-loops, symmetric normalization D^-1/2 A D^-1/2, then X W + b
    n = x.shape[0]
    loop = jnp.arange(n, dtype=edge_index.dtype)
    src = jnp.concatenate([edge_index[0], loop])
    dst = jnp.concatenate([edge_index[1], loop])
    deg = jax.ops.segment_sum(jnp.ones_like(src, dtype=x.dtype), dst, num_segments=n)
    dinv = jax.lax.rsqrt(jnp.clip(deg, 1.0, None))
    norm = dinv[src] * dinv[dst]
    h = x @ W
    msg = h[src] * norm[:, None]
    out = jax.ops.segment_sum(msg, dst, num_segments=n)
    return out + b


def reference(x, edge_index, W1, b1, W2, b2):
    h = jax.nn.relu(gcn_conv(x, edge_index, W1, b1))
    # dropout in eval mode is identity
    o = gcn_conv(h, edge_index, W2, b2)
    return jax.nn.log_softmax(o, axis=1)

if __name__ == "__main__":
    import jax
    _d = setup_inputs()
    print(jax.jit(kernel)(*tuple(_d.values())))

</pallas_src>

<mosaic_0001>
#map = affine_map<(d0, d1) -> (0)>
#map1 = affine_map<(d0, d1) -> (0, 0)>
module attributes {stable_mosaic.version = 14 : i64} {
  func.func @_deg_kernel(%arg0: i32, %arg1: i32, %arg2: memref<327680xi32, #tpu.memory_space<hbm>>, %arg3: memref<32x10240xf32, #tpu.memory_space<hbm>>, %arg4: memref<2048xi32, #tpu.memory_space<vmem>>, %arg5: memref<10240xf32, #tpu.memory_space<vmem>>) attributes {dimension_semantics = [#tpu.dimension_semantics<core_parallel>, #tpu.dimension_semantics<subcore_parallel>], iteration_bounds = array<i64: 2, 16>, scalar_prefetch = 0 : i64, scratch_operands = 2 : i64, tpu.core_type = #tpu.core_type<sc_vector_subcore>, window_params = [{transform_indices = #map}, {transform_indices = #map1}]} {
    %mul3A = arith.constant 2 : i32
    %mul3A_0 = arith.muli %arg1, %mul3A : i32
    %add3A = arith.addi %mul3A_0, %arg0 : i32
    %scan3A = arith.constant 0 : i32
    %scan3A_1 = arith.constant 640 : i32
    %scan3A_2 = arith.addi %scan3A, %scan3A_1 : i32
    %scan3A_3 = arith.constant 1 : i32
    scf.for %scan3A_13 = %scan3A to %scan3A_2 step %scan3A_3  : i32 {
      %broadcast_in_dim3A_14 = arith.constant 0.000000e+00 : f32
      %broadcast_in_dim3A_15 = vector.broadcast %broadcast_in_dim3A_14 : f32 to vector<16xf32>
      %mul3A_16 = arith.constant 16 : i32
      %mul3A_17 = arith.muli %scan3A_13, %mul3A_16 : i32
      %swap3A = arith.index_cast %mul3A_17 : i32 to index
      %swap3A_18 = tpu.vector_load %arg5[%swap3A] {strides = array<i32>} : memref<10240xf32, #tpu.memory_space<vmem>>, vector<16xf32>,
      tpu.vector_store %arg5[%swap3A], %broadcast_in_dim3A_15 {strides = array<i32>} : memref<10240xf32, #tpu.memory_space<vmem>>, vector<16xf32>,
    }
    %scan3A_4 = arith.constant 640 : i32
    %broadcast_in_dim3A = arith.constant 1.000000e+00 : f32
    %broadcast_in_dim3A_5 = vector.broadcast %broadcast_in_dim3A : f32 to vector<16xf32>
    %mul3A_6 = arith.constant 10240 : i32
    %mul3A_7 = arith.muli %add3A, %mul3A_6 : i32
    %scan3A_8 = arith.constant 0 : i32
    %scan3A_9 = arith.constant 5 : i32
    %scan3A_10 = arith.addi %scan3A_8, %scan3A_9 : i32
    %scan3A_11 = arith.constant 1 : i32
    scf.for %scan3A_13 = %scan3A_8 to %scan3A_10 step %scan3A_11  : i32 {
      %mul3A_14 = arith.constant 2048 : i32
      %mul3A_15 = arith.muli %scan3A_13, %mul3A_14 : i32
      %add3A_16 = arith.addi %mul3A_7, %mul3A_15 : i32
      "tpu.region"() ({
        %run_scoped3A = tpu.sem_alloc : memref<!tpu.dma_semaphore, #tpu.memory_space<semaphore_mem>>
        %dma_start3A = tpu.memref_slice %arg2[%add3A_16] : memref<327680xi32, #tpu.memory_space<hbm>> -> memref<2048xi32, #tpu.memory_space<hbm>>
        %dma_start3A_22 = tpu.memref_slice %arg2[%add3A_16] : memref<327680xi32, #tpu.memory_space<hbm>> -> memref<2048xi32, #tpu.memory_space<hbm>>
        tpu.enqueue_dma source(%dma_start3A_22 : memref<2048xi32, #tpu.memory_space<hbm>>) target(%arg4 : memref<2048xi32, #tpu.memory_space<vmem>>) target_semaphore(%run_scoped3A : memref<!tpu.dma_semaphore, #tpu.memory_space<semaphore_mem>>)
        %dma_wait3A = tpu.memref_slice %arg2[%add3A_16] : memref<327680xi32, #tpu.memory_space<hbm>> -> memref<2048xi32, #tpu.memory_space<hbm>>
        %dma_wait3A_23 = tpu.memref_slice %arg2[%add3A_16] : memref<327680xi32, #tpu.memory_space<hbm>> -> memref<2048xi32, #tpu.memory_space<hbm>>
        tpu.wait_dma2 semaphore(%run_scoped3A : memref<!tpu.dma_semaphore, #tpu.memory_space<semaphore_mem>>) src(%dma_wait3A_23 : memref<2048xi32, #tpu.memory_space<hbm>>) dst(%arg4 : memref<2048xi32, #tpu.memory_space<vmem>>)
        tpu.yield
      }) : () -> ()
      %scan3A_17 = arith.constant 0 : i32
      %scan3A_18 = arith.constant 128 : i32
      %scan3A_19 = arith.addi %scan3A_17, %scan3A_18 : i32
      %scan3A_20 = arith.constant 1 : i32
      scf.for %scan3A_22 = %scan3A_17 to %scan3A_19 step %scan3A_20  : i32 {
        %mul3A_23 = arith.constant 16 : i32
        %mul3A_24 = arith.muli %scan3A_22, %mul3A_23 : i32
        %get3A = arith.index_cast %mul3A_24 : i32 to index
        %get3A_25 = tpu.vector_load %arg4[%get3A] {strides = array<i32>} : memref<2048xi32, #tpu.memory_space<vmem>>, vector<16xi32>,
        tpu.vector_store_idx %arg5[%get3A_25], %broadcast_in_dim3A_5 {add = true} : memref<10240xf32, #tpu.memory_space<vmem>>[vector<16xi32>], vector<16xf32>,
      }
      %scan3A_21 = arith.constant 128 : i32
    }
    %scan3A_12 = arith.constant 5 : i32
    "tpu.region"() ({
      %run_scoped3A = tpu.sem_alloc : memref<!tpu.dma_semaphore, #tpu.memory_space<semaphore_mem>>
      %dma_start3A = arith.constant 0 : i32
      %dma_start3A_13 = tpu.memref_slice %arg3[%add3A, %dma_start3A] : memref<32x10240xf32, #tpu.memory_space<hbm>> -> memref<1x10240xf32, #tpu.memory_space<hbm>>
      %dma_start3A_14 = tpu.memref_squeeze %dma_start3A_13 : memref<1x10240xf32, #tpu.memory_space<hbm>> -> memref<10240xf32, #tpu.memory_space<hbm>>
      %dma_start3A_15 = arith.constant 0 : i32
      %dma_start3A_16 = tpu.memref_slice %arg3[%add3A, %dma_start3A_15] : memref<32x10240xf32, #tpu.memory_space<hbm>> -> memref<1x10240xf32, #tpu.memory_space<hbm>>
      %dma_start3A_17 = tpu.memref_squeeze %dma_start3A_16 : memref<1x10240xf32, #tpu.memory_space<hbm>> -> memref<10240xf32, #tpu.memory_space<hbm>>
      tpu.enqueue_dma source(%arg5 : memref<10240xf32, #tpu.memory_space<vmem>>) target(%dma_start3A_17 : memref<10240xf32, #tpu.memory_space<hbm>>) target_semaphore(%run_scoped3A : memref<!tpu.dma_semaphore, #tpu.memory_space<semaphore_mem>>)
      %dma_wait3A = arith.constant 0 : i32
      %dma_wait3A_18 = tpu.memref_slice %arg3[%add3A, %dma_wait3A] : memref<32x10240xf32, #tpu.memory_space<hbm>> -> memref<1x10240xf32, #tpu.memory_space<hbm>>
      %dma_wait3A_19 = tpu.memref_squeeze %dma_wait3A_18 : memref<1x10240xf32, #tpu.memory_space<hbm>> -> memref<10240xf32, #tpu.memory_space<hbm>>
      %dma_wait3A_20 = arith.constant 0 : i32
      %dma_wait3A_21 = tpu.memref_slice %arg3[%add3A, %dma_wait3A_20] : memref<32x10240xf32, #tpu.memory_space<hbm>> -> memref<1x10240xf32, #tpu.memory_space<hbm>>
      %dma_wait3A_22 = tpu.memref_squeeze %dma_wait3A_21 : memref<1x10240xf32, #tpu.memory_space<hbm>> -> memref<10240xf32, #tpu.memory_space<hbm>>
      tpu.wait_dma2 semaphore(%run_scoped3A : memref<!tpu.dma_semaphore, #tpu.memory_space<semaphore_mem>>) src(%arg5 : memref<10240xf32, #tpu.memory_space<vmem>>) dst(%dma_wait3A_22 : memref<10240xf32, #tpu.memory_space<hbm>>)
      tpu.yield
    }) : () -> ()
    return
  }
}

#map = affine_map<(d0, d1) -> (0, 0)>
#map1 = affine_map<(d0, d1) -> (0, 0, 0)>
module attributes {stable_mosaic.version = 14 : i64} {
  func.func @prop(%arg0: i32, %arg1: i32, %arg2: memref<10240x128xf32, #tpu.memory_space<hbm>>, %arg3: memref<32x80x128xi32, #tpu.memory_space<hbm>>, %arg4: memref<32x80x128xi32, #tpu.memory_space<hbm>>, %arg5: memref<2x10240x128xf32, #tpu.memory_space<hbm>>, %arg6: memref<40x128xi32, #tpu.memory_space<vmem>>, %arg7: memref<40x128xi32, #tpu.memory_space<vmem>>, %arg8: memref<128x128xf32, #tpu.memory_space<vmem>>, %arg9: memref<128x128xf32, #tpu.memory_space<vmem>>, %arg10: memref<16x128xf32, #tpu.memory_space<vmem>>, %arg11: memref<10240x128xf32, #tpu.memory_space<vmem_shared>>, %arg12: memref<!tpu.dma_semaphore, #tpu.memory_space<semaphore_mem>>, %arg13: memref<!tpu.dma_semaphore, #tpu.memory_space<semaphore_mem>>) attributes {dimension_semantics = [#tpu.dimension_semantics<core_parallel>, #tpu.dimension_semantics<subcore_parallel>], iteration_bounds = array<i64: 2, 16>, scalar_prefetch = 0 : i64, scratch_operands = 8 : i64, tpu.core_type = #tpu.core_type<sc_vector_subcore>, window_params = [{transform_indices = #map}, {transform_indices = #map1}, {transform_indices = #map1}, {transform_indices = #map1}]} {
    %mul3A = arith.constant 2 : i32
    %mul3A_0 = arith.muli %arg1, %mul3A : i32
    %add3A = arith.addi %mul3A_0, %arg0 : i32
    %scan3A = arith.constant 0 : i32
    %scan3A_1 = arith.constant 128 : i32
    %scan3A_2 = arith.addi %scan3A, %scan3A_1 : i32
    %scan3A_3 = arith.constant 1 : i32
    scf.for %scan3A_36 = %scan3A to %scan3A_2 step %scan3A_3  : i32 {
      %broadcast_in_dim3A = arith.constant 0.000000e+00 : f32
      %broadcast_in_dim3A_37 = vector.broadcast %broadcast_in_dim3A : f32 to vector<16xf32>
      %jit3A = arith.constant 8 : i32
      %div3A = arith.divsi %scan3A_36, %jit3A : i32
      %sign3A = arith.constant 0 : i32
      %sign3A_38 = arith.cmpi sgt, %scan3A_36, %sign3A : i32
      %sign3A_39 = arith.extui %sign3A_38 : i1 to i32
      %sign3A_40 = arith.constant 0 : i32
      %sign3A_41 = arith.cmpi slt, %scan3A_36, %sign3A_40 : i32
      %sign3A_42 = arith.extui %sign3A_41 : i1 to i32
      %sign3A_43 = arith.subi %sign3A_39, %sign3A_42 : i32
      %sign3A_44 = arith.constant 0 : i32
      %sign3A_45 = arith.cmpi sgt, %jit3A, %sign3A_44 : i32
      %sign3A_46 = arith.extui %sign3A_45 : i1 to i32
      %sign3A_47 = arith.constant 0 : i32
      %sign3A_48 = arith.cmpi slt, %jit3A, %sign3A_47 : i32
      %sign3A_49 = arith.extui %sign3A_48 : i1 to i32
      %sign3A_50 = arith.subi %sign3A_46, %sign3A_49 : i32
      %ne3A = arith.cmpi ne, %sign3A_43, %sign3A_50 : i32
      %rem3A = arith.remsi %scan3A_36, %jit3A : i32
      %ne3A_51 = arith.constant 0 : i32
      %ne3A_52 = arith.cmpi ne, %rem3A, %ne3A_51 : i32
      %and3A = arith.andi %ne3A, %ne3A_52 : i1
      %sub3A = arith.constant 1 : i32
      %sub3A_53 = arith.subi %div3A, %sub3A : i32
      %select_n3A = arith.select %and3A, %sub3A_53, %div3A : i32
      %jit3A_54 = arith.constant 8 : i32
      %eq3A = arith.constant 0 : i32
      %eq3A_55 = arith.cmpi eq, %jit3A_54, %eq3A : i32
      %jit3A_56 = arith.constant 1 : i32
      %select_n3A_57 = arith.select %eq3A_55, %jit3A_56, %jit3A_54 : i32
      %rem3A_58 = arith.remsi %scan3A_36, %select_n3A_57 : i32
      %ne3A_59 = arith.constant 0 : i32
      %ne3A_60 = arith.cmpi ne, %rem3A_58, %ne3A_59 : i32
      %lt3A = arith.constant 0 : i32
      %lt3A_61 = arith.cmpi slt, %rem3A_58, %lt3A : i32
      %lt3A_62 = arith.constant 0 : i32
      %lt3A_63 = arith.cmpi slt, %select_n3A_57, %lt3A_62 : i32
      %ne3A_64 = arith.xori %lt3A_61, %lt3A_63 : i1
      %and3A_65 = arith.andi %ne3A_64, %ne3A_60 : i1
      %add3A_66 = arith.addi %rem3A_58, %select_n3A_57 : i32
      %select_n3A_67 = arith.select %and3A_65, %add3A_66, %rem3A_58 : i32
      %mul3A_68 = arith.constant 16 : i32
      %mul3A_69 = arith.muli %select_n3A_67, %mul3A_68 : i32
      %swap3A = arith.index_cast %select_n3A : i32 to index
      %swap3A_70 = arith.index_cast %mul3A_69 : i32 to index
      %swap3A_71 = tpu.vector_load %arg10[%swap3A, %swap3A_70] {strides = array<i32>} : memref<16x128xf32, #tpu.memory_space<vmem>>, vector<16xf32>,
      tpu.vector_store %arg10[%swap3A, %swap3A_70], %broadcast_in_dim3A_37 {strides = array<i32>} : memref<16x128xf32, #tpu.memory_space<vmem>>, vector<16xf32>,
    }
    %scan3A_4 = arith.constant 128 : i32
    %scan3A_5 = arith.constant 0 : i32
    %scan3A_6 = arith.constant 40 : i32
    %scan3A_7 = arith.addi %scan3A_5, %scan3A_6 : i32
    %scan3A_8 = arith.constant 1 : i32
    scf.for %scan3A_36 = %scan3A_5 to %scan3A_7 step %scan3A_8  : i32 {
      %mul3A_37 = arith.constant 640 : i32
      %mul3A_38 = arith.muli %arg1, %mul3A_37 : i32
      %mul3A_39 = arith.constant 16 : i32
      %mul3A_40 = arith.muli %scan3A_36, %mul3A_39 : i32
      %add3A_41 = arith.addi %mul3A_38, %mul3A_40 : i32
      "tpu.region"() ({
        %run_scoped3A = tpu.sem_alloc : memref<!tpu.dma_semaphore, #tpu.memory_space<semaphore_mem>>
        %dma_start3A_42 = arith.constant 0 : i32
        %dma_start3A_43 = tpu.memref_slice %arg11[%add3A_41, %dma_start3A_42] : memref<10240x128xf32, #tpu.memory_space<vmem_shared>> -> memref<16x128xf32, #tpu.memory_space<vmem_shared>>
        %dma_start3A_44 = arith.constant 0 : i32
        %dma_start3A_45 = tpu.memref_slice %arg11[%add3A_41, %dma_start3A_44] : memref<10240x128xf32, #tpu.memory_space<vmem_shared>> -> memref<16x128xf32, #tpu.memory_space<vmem_shared>>
        tpu.enqueue_dma source(%arg10 : memref<16x128xf32, #tpu.memory_space<vmem>>) target(%dma_start3A_45 : memref<16x128xf32, #tpu.memory_space<vmem_shared>>) target_semaphore(%run_scoped3A : memref<!tpu.dma_semaphore, #tpu.memory_space<semaphore_mem>>)
        %dma_wait3A = arith.constant 0 : i32
        %dma_wait3A_46 = tpu.memref_slice %arg11[%add3A_41, %dma_wait3A] : memref<10240x128xf32, #tpu.memory_space<vmem_shared>> -> memref<16x128xf32, #tpu.memory_space<vmem_shared>>
        %dma_wait3A_47 = arith.constant 0 : i32
        %dma_wait3A_48 = tpu.memref_slice %arg11[%add3A_41, %dma_wait3A_47] : memref<10240x128xf32, #tpu.memory_space<vmem_shared>> -> memref<16x128xf32, #tpu.memory_space<vmem_shared>>
        tpu.wait_dma2 semaphore(%run_scoped3A : memref<!tpu.dma_semaphore, #tpu.memory_space<semaphore_mem>>) src(%arg10 : memref<16x128xf32, #tpu.memory_space<vmem>>) dst(%dma_wait3A_48 : memref<16x128xf32, #tpu.memory_space<vmem_shared>>)
        tpu.yield
      }) : () -> ()
    }
    %scan3A_9 = arith.constant 40 : i32
    %barrier3A = arith.constant 0 : index
    tpu.barrier barrier_id(%barrier3A)
    "tpu.region"() ({
      %run_scoped3A = tpu.sem_alloc : memref<!tpu.dma_semaphore, #tpu.memory_space<semaphore_mem>>
      %dma_start3A_36 = arith.constant 0 : i32
      %dma_start3A_37 = arith.constant 0 : i32
      %dma_start3A_38 = tpu.memref_slice %arg3[%add3A, %dma_start3A_36, %dma_start3A_37] : memref<32x80x128xi32, #tpu.memory_space<hbm>> -> memref<1x80x128xi32, #tpu.memory_space<hbm>>
      %dma_start3A_39 = tpu.memref_squeeze %dma_start3A_38 : memref<1x80x128xi32, #tpu.memory_space<hbm>> -> memref<80x128xi32, #tpu.memory_space<hbm>>
      %dma_start3A_40 = arith.constant 0 : i32
      %dma_start3A_41 = arith.constant 0 : i32
      %dma_start3A_42 = tpu.memref_slice %dma_start3A_39[%dma_start3A_40, %dma_start3A_41] : memref<80x128xi32, #tpu.memory_space<hbm>> -> memref<40x128xi32, #tpu.memory_space<hbm>>
      %dma_start3A_43 = arith.constant 0 : i32
      %dma_start3A_44 = arith.constant 0 : i32
      %dma_start3A_45 = tpu.memref_slice %arg3[%add3A, %dma_start3A_43, %dma_start3A_44] : memref<32x80x128xi32, #tpu.memory_space<hbm>> -> memref<1x80x128xi32, #tpu.memory_space<hbm>>
      %dma_start3A_46 = tpu.memref_squeeze %dma_start3A_45 : memref<1x80x128xi32, #tpu.memory_space<hbm>> -> memref<80x128xi32, #tpu.memory_space<hbm>>
      %dma_start3A_47 = arith.constant 0 : i32
      %dma_start3A_48 = arith.constant 0 : i32
      %dma_start3A_49 = tpu.memref_slice %dma_start3A_46[%dma_start3A_47, %dma_start3A_48] : memref<80x128xi32, #tpu.memory_space<hbm>> -> memref<40x128xi32, #tpu.memory_space<hbm>>
      tpu.enqueue_dma source(%dma_start3A_49 : memref<40x128xi32, #tpu.memory_space<hbm>>) target(%arg6 : memref<40x128xi32, #tpu.memory_space<vmem>>) target_semaphore(%run_scoped3A : memref<!tpu.dma_semaphore, #tpu.memory_space<semaphore_mem>>)
      %dma_wait3A = arith.constant 0 : i32
      %dma_wait3A_50 = arith.constant 0 : i32
      %dma_wait3A_51 = tpu.memref_slice %arg3[%add3A, %dma_wait3A, %dma_wait3A_50] : memref<32x80x128xi32, #tpu.memory_space<hbm>> -> memref<1x80x128xi32, #tpu.memory_space<hbm>>
      %dma_wait3A_52 = tpu.memref_squeeze %dma_wait3A_51 : memref<1x80x128xi32, #tpu.memory_space<hbm>> -> memref<80x128xi32, #tpu.memory_space<hbm>>
      %dma_wait3A_53 = arith.constant 0 : i32
      %dma_wait3A_54 = arith.constant 0 : i32
      %dma_wait3A_55 = tpu.memref_slice %dma_wait3A_52[%dma_wait3A_53, %dma_wait3A_54] : memref<80x128xi32, #tpu.memory_space<hbm>> -> memref<40x128xi32, #tpu.memory_space<hbm>>
      %dma_wait3A_56 = arith.constant 0 : i32
      %dma_wait3A_57 = arith.constant 0 : i32
      %dma_wait3A_58 = tpu.memref_slice %arg3[%add3A, %dma_wait3A_56, %dma_wait3A_57] : memref<32x80x128xi32, #tpu.memory_space<hbm>> -> memref<1x80x128xi32, #tpu.memory_space<hbm>>
      %dma_wait3A_59 = tpu.memref_squeeze %dma_wait3A_58 : memref<1x80x128xi32, #tpu.memory_space<hbm>> -> memref<80x128xi32, #tpu.memory_space<hbm>>
      %dma_wait3A_60 = arith.constant 0 : i32
      %dma_wait3A_61 = arith.constant 0 : i32
      %dma_wait3A_62 = tpu.memref_slice %dma_wait3A_59[%dma_wait3A_60, %dma_wait3A_61] : memref<80x128xi32, #tpu.memory_space<hbm>> -> memref<40x128xi32, #tpu.memory_space<hbm>>
      tpu.wait_dma2 semaphore(%run_scoped3A : memref<!tpu.dma_semaphore, #tpu.memory_space<semaphore_mem>>) src(%dma_wait3A_62 : memref<40x128xi32, #tpu.memory_space<hbm>>) dst(%arg6 : memref<40x128xi32, #tpu.memory_space<vmem>>)
      tpu.yield
    }) : () -> ()
    "tpu.region"() ({
      %run_scoped3A = tpu.sem_alloc : memref<!tpu.dma_semaphore, #tpu.memory_space<semaphore_mem>>
      %dma_start3A_36 = arith.constant 0 : i32
      %dma_start3A_37 = arith.constant 0 : i32
      %dma_start3A_38 = tpu.memref_slice %arg4[%add3A, %dma_start3A_36, %dma_start3A_37] : memref<32x80x128xi32, #tpu.memory_space<hbm>> -> memref<1x80x128xi32, #tpu.memory_space<hbm>>
      %dma_start3A_39 = tpu.memref_squeeze %dma_start3A_38 : memref<1x80x128xi32, #tpu.memory_space<hbm>> -> memref<80x128xi32, #tpu.memory_space<hbm>>
      %dma_start3A_40 = arith.constant 0 : i32
      %dma_start3A_41 = arith.constant 0 : i32
      %dma_start3A_42 = tpu.memref_slice %dma_start3A_39[%dma_start3A_40, %dma_start3A_41] : memref<80x128xi32, #tpu.memory_space<hbm>> -> memref<40x128xi32, #tpu.memory_space<hbm>>
      %dma_start3A_43 = arith.constant 0 : i32
      %dma_start3A_44 = arith.constant 0 : i32
      %dma_start3A_45 = tpu.memref_slice %arg4[%add3A, %dma_start3A_43, %dma_start3A_44] : memref<32x80x128xi32, #tpu.memory_space<hbm>> -> memref<1x80x128xi32, #tpu.memory_space<hbm>>
      %dma_start3A_46 = tpu.memref_squeeze %dma_start3A_45 : memref<1x80x128xi32, #tpu.memory_space<hbm>> -> memref<80x128xi32, #tpu.memory_space<hbm>>
      %dma_start3A_47 = arith.constant 0 : i32
      %dma_start3A_48 = arith.constant 0 : i32
      %dma_start3A_49 = tpu.memref_slice %dma_start3A_46[%dma_start3A_47, %dma_start3A_48] : memref<80x128xi32, #tpu.memory_space<hbm>> -> memref<40x128xi32, #tpu.memory_space<hbm>>
      tpu.enqueue_dma source(%dma_start3A_49 : memref<40x128xi32, #tpu.memory_space<hbm>>) target(%arg7 : memref<40x128xi32, #tpu.memory_space<vmem>>) target_semaphore(%run_scoped3A : memref<!tpu.dma_semaphore, #tpu.memory_space<semaphore_mem>>)
      %dma_wait3A = arith.constant 0 : i32
      %dma_wait3A_50 = arith.constant 0 : i32
      %dma_wait3A_51 = tpu.memref_slice %arg4[%add3A, %dma_wait3A, %dma_wait3A_50] : memref<32x80x128xi32, #tpu.memory_space<hbm>> -> memref<1x80x128xi32, #tpu.memory_space<hbm>>
      %dma_wait3A_52 = tpu.memref_squeeze %dma_wait3A_51 : memref<1x80x128xi32, #tpu.memory_space<hbm>> -> memref<80x128xi32, #tpu.memory_space<hbm>>
      %dma_wait3A_53 = arith.constant 0 : i32
      %dma_wait3A_54 = arith.constant 0 : i32
      %dma_wait3A_55 = tpu.memref_slice %dma_wait3A_52[%dma_wait3A_53, %dma_wait3A_54] : memref<80x128xi32, #tpu.memory_space<hbm>> -> memref<40x128xi32, #tpu.memory_space<hbm>>
      %dma_wait3A_56 = arith.constant 0 : i32
      %dma_wait3A_57 = arith.constant 0 : i32
      %dma_wait3A_58 = tpu.memref_slice %arg4[%add3A, %dma_wait3A_56, %dma_wait3A_57] : memref<32x80x128xi32, #tpu.memory_space<hbm>> -> memref<1x80x128xi32, #tpu.memory_space<hbm>>
      %dma_wait3A_59 = tpu.memref_squeeze %dma_wait3A_58 : memref<1x80x128xi32, #tpu.memory_space<hbm>> -> memref<80x128xi32, #tpu.memory_space<hbm>>
      %dma_wait3A_60 = arith.constant 0 : i32
      %dma_wait3A_61 = arith.constant 0 : i32
      %dma_wait3A_62 = tpu.memref_slice %dma_wait3A_59[%dma_wait3A_60, %dma_wait3A_61] : memref<80x128xi32, #tpu.memory_space<hbm>> -> memref<40x128xi32, #tpu.memory_space<hbm>>
      tpu.wait_dma2 semaphore(%run_scoped3A : memref<!tpu.dma_semaphore, #tpu.memory_space<semaphore_mem>>) src(%dma_wait3A_62 : memref<40x128xi32, #tpu.memory_space<hbm>>) dst(%arg7 : memref<40x128xi32, #tpu.memory_space<vmem>>)
      tpu.yield
    }) : () -> ()
    %dma_start3A = arith.constant 0 : i32
    %dma_start3A_10 = arith.constant 0 : i32
    %dma_start3A_11 = tpu.memref_slice %arg6[%dma_start3A, %dma_start3A_10] : memref<40x128xi32, #tpu.memory_space<vmem>> -> memref<1x128xi32, #tpu.memory_space<vmem>>
    %dma_start3A_12 = tpu.memref_squeeze %dma_start3A_11 : memref<1x128xi32, #tpu.memory_space<vmem>> -> memref<128xi32, #tpu.memory_space<vmem>>
    %dma_start3A_13 = arith.constant 0 : i32
    %dma_start3A_14 = arith.constant 0 : i32
    %dma_start3A_15 = tpu.memref_slice %arg2[%dma_start3A_13, %dma_start3A_14] : memref<10240x128xf32, #tpu.memory_space<hbm>> -> memref<10240x128xf32, #tpu.memory_space<hbm>>
    tpu.enqueue_indirect_dma source(%dma_start3A_15 : memref<10240x128xf32, #tpu.memory_space<hbm>>) target(%arg8 : memref<128x128xf32, #tpu.memory_space<vmem>>) offsets(%dma_start3A_12 : memref<128xi32, #tpu.memory_space<vmem>>) semaphore(%arg12 : memref<!tpu.dma_semaphore, #tpu.memory_space<semaphore_mem>>)
    %scan3A_16 = arith.constant 0 : i32
    %scan3A_17 = arith.constant 20 : i32
    %scan3A_18 = arith.addi %scan3A_16, %scan3A_17 : i32
    %scan3A_19 = arith.constant 1 : i32
    scf.for %scan3A_36 = %scan3A_16 to %scan3A_18 step %scan3A_19  : i32 {
      %mul3A_37 = arith.constant 2 : i32
      %mul3A_38 = arith.muli %mul3A_37, %scan3A_36 : i32
      %add3A_39 = arith.constant 1 : i32
      %add3A_40 = arith.addi %mul3A_38, %add3A_39 : i32
      %dma_start3A_41 = arith.constant 0 : i32
      %dma_start3A_42 = tpu.memref_slice %arg6[%add3A_40, %dma_start3A_41] : memref<40x128xi32, #tpu.memory_space<vmem>> -> memref<1x128xi32, #tpu.memory_space<vmem>>
      %dma_start3A_43 = tpu.memref_squeeze %dma_start3A_42 : memref<1x128xi32, #tpu.memory_space<vmem>> -> memref<128xi32, #tpu.memory_space<vmem>>
      %dma_start3A_44 = arith.constant 0 : i32
      %dma_start3A_45 = arith.constant 0 : i32
      %dma_start3A_46 = tpu.memref_slice %arg2[%dma_start3A_44, %dma_start3A_45] : memref<10240x128xf32, #tpu.memory_space<hbm>> -> memref<10240x128xf32, #tpu.memory_space<hbm>>
      tpu.enqueue_indirect_dma source(%dma_start3A_46 : memref<10240x128xf32, #tpu.memory_space<hbm>>) target(%arg9 : memref<128x128xf32, #tpu.memory_space<vmem>>) offsets(%dma_start3A_43 : memref<128xi32, #tpu.memory_space<vmem>>) semaphore(%arg13 : memref<!tpu.dma_semaphore, #tpu.memory_space<semaphore_mem>>)
      %dma_wait3A = arith.constant 0 : i32
      %dma_wait3A_47 = tpu.memref_slice %arg6[%mul3A_38, %dma_wait3A] : memref<40x128xi32, #tpu.memory_space<vmem>> -> memref<1x128xi32, #tpu.memory_space<vmem>>
      %dma_wait3A_48 = tpu.memref_squeeze %dma_wait3A_47 : memref<1x128xi32, #tpu.memory_space<vmem>> -> memref<128xi32, #tpu.memory_space<vmem>>
      %dma_wait3A_49 = arith.constant 0 : i32
      %dma_wait3A_50 = arith.constant 0 : i32
      %dma_wait3A_51 = tpu.memref_slice %arg2[%dma_wait3A_49, %dma_wait3A_50] : memref<10240x128xf32, #tpu.memory_space<hbm>> -> memref<10240x128xf32, #tpu.memory_space<hbm>>
      tpu.wait_indirect_dma semaphore(%arg12 : memref<!tpu.dma_semaphore, #tpu.memory_space<semaphore_mem>>) src(%dma_wait3A_51 : memref<10240x128xf32, #tpu.memory_space<hbm>>) dst(%arg8 : memref<128x128xf32, #tpu.memory_space<vmem>>)
      "tpu.region"() ({
        %run_scoped3A = tpu.sem_alloc : memref<!tpu.dma_semaphore, #tpu.memory_space<semaphore_mem>>
        %dma_start3A_64 = arith.constant 0 : i32
        %dma_start3A_65 = tpu.memref_slice %arg7[%mul3A_38, %dma_start3A_64] : memref<40x128xi32, #tpu.memory_space<vmem>> -> memref<1x128xi32, #tpu.memory_space<vmem>>
        %dma_start3A_66 = tpu.memref_squeeze %dma_start3A_65 : memref<1x128xi32, #tpu.memory_space<vmem>> -> memref<128xi32, #tpu.memory_space<vmem>>
        %dma_start3A_67 = arith.constant 0 : i32
        %dma_start3A_68 = arith.constant 0 : i32
        %dma_start3A_69 = tpu.memref_slice %arg11[%dma_start3A_67, %dma_start3A_68] : memref<10240x128xf32, #tpu.memory_space<vmem_shared>> -> memref<10240x128xf32, #tpu.memory_space<vmem_shared>>
        tpu.enqueue_indirect_dma source(%arg8 : memref<128x128xf32, #tpu.memory_space<vmem>>) target(%dma_start3A_69 : memref<10240x128xf32, #tpu.memory_space<vmem_shared>>) offsets(%dma_start3A_66 : memref<128xi32, #tpu.memory_space<vmem>>) semaphore(%run_scoped3A : memref<!tpu.dma_semaphore, #tpu.memory_space<semaphore_mem>>) {add = true}
        %dma_wait3A_70 = arith.constant 0 : i32
        %dma_wait3A_71 = tpu.memref_slice %arg7[%mul3A_38, %dma_wait3A_70] : memref<40x128xi32, #tpu.memory_space<vmem>> -> memref<1x128xi32, #tpu.memory_space<vmem>>
        %dma_wait3A_72 = tpu.memref_squeeze %dma_wait3A_71 : memref<1x128xi32, #tpu.memory_space<vmem>> -> memref<128xi32, #tpu.memory_space<vmem>>
        %dma_wait3A_73 = arith.constant 0 : i32
        %dma_wait3A_74 = arith.constant 0 : i32
        %dma_wait3A_75 = tpu.memref_slice %arg11[%dma_wait3A_73, %dma_wait3A_74] : memref<10240x128xf32, #tpu.memory_space<vmem_shared>> -> memref<10240x128xf32, #tpu.memory_space<vmem_shared>>
        tpu.wait_indirect_dma semaphore(%run_scoped3A : memref<!tpu.dma_semaphore, #tpu.memory_space<semaphore_mem>>) src(%arg8 : memref<128x128xf32, #tpu.memory_space<vmem>>) dst(%dma_wait3A_75 : memref<10240x128xf32, #tpu.memory_space<vmem_shared>>)
        tpu.yield
      }) : () -> ()
      %lt3A = arith.constant 19 : i32
      %lt3A_52 = arith.cmpi slt, %scan3A_36, %lt3A : i32
      %convert_element_type3A = arith.extui %lt3A_52 : i1 to i32
      %cond3A = arith.constant 0 : i32
      %cond3A_53 = arith.cmpi ne, %convert_element_type3A, %cond3A : i32
      scf.if %cond3A_53 {
        %add3A_64 = arith.constant 2 : i32
        %add3A_65 = arith.addi %mul3A_38, %add3A_64 : i32
        %dma_start3A_66 = arith.constant 0 : i32
        %dma_start3A_67 = tpu.memref_slice %arg6[%add3A_65, %dma_start3A_66] : memref<40x128xi32, #tpu.memory_space<vmem>> -> memref<1x128xi32, #tpu.memory_space<vmem>>
        %dma_start3A_68 = tpu.memref_squeeze %dma_start3A_67 : memref<1x128xi32, #tpu.memory_space<vmem>> -> memref<128xi32, #tpu.memory_space<vmem>>
        %dma_start3A_69 = arith.constant 0 : i32
        %dma_start3A_70 = arith.constant 0 : i32
        %dma_start3A_71 = tpu.memref_slice %arg2[%dma_start3A_69, %dma_start3A_70] : memref<10240x128xf32, #tpu.memory_space<hbm>> -> memref<10240x128xf32, #tpu.memory_space<hbm>>
        tpu.enqueue_indirect_dma source(%dma_start3A_71 : memref<10240x128xf32, #tpu.memory_space<hbm>>) target(%arg8 : memref<128x128xf32, #tpu.memory_space<vmem>>) offsets(%dma_start3A_68 : memref<128xi32, #tpu.memory_space<vmem>>) semaphore(%arg12 : memref<!tpu.dma_semaphore, #tpu.memory_space<semaphore_mem>>)
      } else {
      }
      %add3A_54 = arith.constant 1 : i32
      %add3A_55 = arith.addi %mul3A_38, %add3A_54 : i32
      %dma_wait3A_56 = arith.constant 0 : i32
      %dma_wait3A_57 = tpu.memref_slice %arg6[%add3A_55, %dma_wait3A_56] : memref<40x128xi32, #tpu.memory_space<vmem>> -> memref<1x128xi32, #tpu.memory_space<vmem>>
      %dma_wait3A_58 = tpu.memref_squeeze %dma_wait3A_57 : memref<1x128xi32, #tpu.memory_space<vmem>> -> memref<128xi32, #tpu.memory_space<vmem>>
      %dma_wait3A_59 = arith.constant 0 : i32
      %dma_wait3A_60 = arith.constant 0 : i32
      %dma_wait3A_61 = tpu.memref_slice %arg2[%dma_wait3A_59, %dma_wait3A_60] : memref<10240x128xf32, #tpu.memory_space<hbm>> -> memref<10240x128xf32, #tpu.memory_space<hbm>>
      tpu.wait_indirect_dma semaphore(%arg13 : memref<!tpu.dma_semaphore, #tpu.memory_space<semaphore_mem>>) src(%dma_wait3A_61 : memref<10240x128xf32, #tpu.memory_space<hbm>>) dst(%arg9 : memref<128x128xf32, #tpu.memory_space<vmem>>)
      %add3A_62 = arith.constant 1 : i32
      %add3A_63 = arith.addi %mul3A_38, %add3A_62 : i32
      "tpu.region"() ({
        %run_scoped3A = tpu.sem_alloc : memref<!tpu.dma_semaphore, #tpu.memory_space<semaphore_mem>>
        %dma_start3A_64 = arith.constant 0 : i32
        %dma_start3A_65 = tpu.memref_slice %arg7[%add3A_63, %dma_start3A_64] : memref<40x128xi32, #tpu.memory_space<vmem>> -> memref<1x128xi32, #tpu.memory_space<vmem>>
        %dma_start3A_66 = tpu.memref_squeeze %dma_start3A_65 : memref<1x128xi32, #tpu.memory_space<vmem>> -> memref<128xi32, #tpu.memory_space<vmem>>
        %dma_start3A_67 = arith.constant 0 : i32
        %dma_start3A_68 = arith.constant 0 : i32
        %dma_start3A_69 = tpu.memref_slice %arg11[%dma_start3A_67, %dma_start3A_68] : memref<10240x128xf32, #tpu.memory_space<vmem_shared>> -> memref<10240x128xf32, #tpu.memory_space<vmem_shared>>
        tpu.enqueue_indirect_dma source(%arg9 : memref<128x128xf32, #tpu.memory_space<vmem>>) target(%dma_start3A_69 : memref<10240x128xf32, #tpu.memory_space<vmem_shared>>) offsets(%dma_start3A_66 : memref<128xi32, #tpu.memory_space<vmem>>) semaphore(%run_scoped3A : memref<!tpu.dma_semaphore, #tpu.memory_space<semaphore_mem>>) {add = true}
        %dma_wait3A_70 = arith.constant 0 : i32
        %dma_wait3A_71 = tpu.memref_slice %arg7[%add3A_63, %dma_wait3A_70] : memref<40x128xi32, #tpu.memory_space<vmem>> -> memref<1x128xi32, #tpu.memory_space<vmem>>
        %dma_wait3A_72 = tpu.memref_squeeze %dma_wait3A_71 : memref<1x128xi32, #tpu.memory_space<vmem>> -> memref<128xi32, #tpu.memory_space<vmem>>
        %dma_wait3A_73 = arith.constant 0 : i32
        %dma_wait3A_74 = arith.constant 0 : i32
        %dma_wait3A_75 = tpu.memref_slice %arg11[%dma_wait3A_73, %dma_wait3A_74] : memref<10240x128xf32, #tpu.memory_space<vmem_shared>> -> memref<10240x128xf32, #tpu.memory_space<vmem_shared>>
        tpu.wait_indirect_dma semaphore(%run_scoped3A : memref<!tpu.dma_semaphore, #tpu.memory_space<semaphore_mem>>) src(%arg9 : memref<128x128xf32, #tpu.memory_space<vmem>>) dst(%dma_wait3A_75 : memref<10240x128xf32, #tpu.memory_space<vmem_shared>>)
        tpu.yield
      }) : () -> ()
    }
    %scan3A_20 = arith.constant 20 : i32
    "tpu.region"() ({
      %run_scoped3A = tpu.sem_alloc : memref<!tpu.dma_semaphore, #tpu.memory_space<semaphore_mem>>
      %dma_start3A_36 = arith.constant 0 : i32
      %dma_start3A_37 = arith.constant 0 : i32
      %dma_start3A_38 = tpu.memref_slice %arg3[%add3A, %dma_start3A_36, %dma_start3A_37] : memref<32x80x128xi32, #tpu.memory_space<hbm>> -> memref<1x80x128xi32, #tpu.memory_space<hbm>>
      %dma_start3A_39 = tpu.memref_squeeze %dma_start3A_38 : memref<1x80x128xi32, #tpu.memory_space<hbm>> -> memref<80x128xi32, #tpu.memory_space<hbm>>
      %dma_start3A_40 = arith.constant 40 : i32
      %dma_start3A_41 = arith.constant 0 : i32
      %dma_start3A_42 = tpu.memref_slice %dma_start3A_39[%dma_start3A_40, %dma_start3A_41] : memref<80x128xi32, #tpu.memory_space<hbm>> -> memref<40x128xi32, #tpu.memory_space<hbm>>
      %dma_start3A_43 = arith.constant 0 : i32
      %dma_start3A_44 = arith.constant 0 : i32
      %dma_start3A_45 = tpu.memref_slice %arg3[%add3A, %dma_start3A_43, %dma_start3A_44] : memref<32x80x128xi32, #tpu.memory_space<hbm>> -> memref<1x80x128xi32, #tpu.memory_space<hbm>>
      %dma_start3A_46 = tpu.memref_squeeze %dma_start3A_45 : memref<1x80x128xi32, #tpu.memory_space<hbm>> -> memref<80x128xi32, #tpu.memory_space<hbm>>
      %dma_start3A_47 = arith.constant 40 : i32
      %dma_start3A_48 = arith.constant 0 : i32
      %dma_start3A_49 = tpu.memref_slice %dma_start3A_46[%dma_start3A_47, %dma_start3A_48] : memref<80x128xi32, #tpu.memory_space<hbm>> -> memref<40x128xi32, #tpu.memory_space<hbm>>
      tpu.enqueue_dma source(%dma_start3A_49 : memref<40x128xi32, #tpu.memory_space<hbm>>) target(%arg6 : memref<40x128xi32, #tpu.memory_space<vmem>>) target_semaphore(%run_scoped3A : memref<!tpu.dma_semaphore, #tpu.memory_space<semaphore_mem>>)
      %dma_wait3A = arith.constant 0 : i32
      %dma_wait3A_50 = arith.constant 0 : i32
      %dma_wait3A_51 = tpu.memref_slice %arg3[%add3A, %dma_wait3A, %dma_wait3A_50] : memref<32x80x128xi32, #tpu.memory_space<hbm>> -> memref<1x80x128xi32, #tpu.memory_space<hbm>>
      %dma_wait3A_52 = tpu.memref_squeeze %dma_wait3A_51 : memref<1x80x128xi32, #tpu.memory_space<hbm>> -> memref<80x128xi32, #tpu.memory_space<hbm>>
      %dma_wait3A_53 = arith.constant 40 : i32
      %dma_wait3A_54 = arith.constant 0 : i32
      %dma_wait3A_55 = tpu.memref_slice %dma_wait3A_52[%dma_wait3A_53, %dma_wait3A_54] : memref<80x128xi32, #tpu.memory_space<hbm>> -> memref<40x128xi32, #tpu.memory_space<hbm>>
      %dma_wait3A_56 = arith.constant 0 : i32
      %dma_wait3A_57 = arith.constant 0 : i32
      %dma_wait3A_58 = tpu.memref_slice %arg3[%add3A, %dma_wait3A_56, %dma_wait3A_57] : memref<32x80x128xi32, #tpu.memory_space<hbm>> -> memref<1x80x128xi32, #tpu.memory_space<hbm>>
      %dma_wait3A_59 = tpu.memref_squeeze %dma_wait3A_58 : memref<1x80x128xi32, #tpu.memory_space<hbm>> -> memref<80x128xi32, #tpu.memory_space<hbm>>
      %dma_wait3A_60 = arith.constant 40 : i32
      %dma_wait3A_61 = arith.constant 0 : i32
      %dma_wait3A_62 = tpu.memref_slice %dma_wait3A_59[%dma_wait3A_60, %dma_wait3A_61] : memref<80x128xi32, #tpu.memory_space<hbm>> -> memref<40x128xi32, #tpu.memory_space<hbm>>
      tpu.wait_dma2 semaphore(%run_scoped3A : memref<!tpu.dma_semaphore, #tpu.memory_space<semaphore_mem>>) src(%dma_wait3A_62 : memref<40x128xi32, #tpu.memory_space<hbm>>) dst(%arg6 : memref<40x128xi32, #tpu.memory_space<vmem>>)
      tpu.yield
    }) : () -> ()
    "tpu.region"() ({
      %run_scoped3A = tpu.sem_alloc : memref<!tpu.dma_semaphore, #tpu.memory_space<semaphore_mem>>
      %dma_start3A_36 = arith.constant 0 : i32
      %dma_start3A_37 = arith.constant 0 : i32
      %dma_start3A_38 = tpu.memref_slice %arg4[%add3A, %dma_start3A_36, %dma_start3A_37] : memref<32x80x128xi32, #tpu.memory_space<hbm>> -> memref<1x80x128xi32, #tpu.memory_space<hbm>>
      %dma_start3A_39 = tpu.memref_squeeze %dma_start3A_38 : memref<1x80x128xi32, #tpu.memory_space<hbm>> -> memref<80x128xi32, #tpu.memory_space<hbm>>
      %dma_start3A_40 = arith.constant 40 : i32
      %dma_start3A_41 = arith.constant 0 : i32
      %dma_start3A_42 = tpu.memref_slice %dma_start3A_39[%dma_start3A_40, %dma_start3A_41] : memref<80x128xi32, #tpu.memory_space<hbm>> -> memref<40x128xi32, #tpu.memory_space<hbm>>
      %dma_start3A_43 = arith.constant 0 : i32
      %dma_start3A_44 = arith.constant 0 : i32
      %dma_start3A_45 = tpu.memref_slice %arg4[%add3A, %dma_start3A_43, %dma_start3A_44] : memref<32x80x128xi32, #tpu.memory_space<hbm>> -> memref<1x80x128xi32, #tpu.memory_space<hbm>>
      %dma_start3A_46 = tpu.memref_squeeze %dma_start3A_45 : memref<1x80x128xi32, #tpu.memory_space<hbm>> -> memref<80x128xi32, #tpu.memory_space<hbm>>
      %dma_start3A_47 = arith.constant 40 : i32
      %dma_start3A_48 = arith.constant 0 : i32
      %dma_start3A_49 = tpu.memref_slice %dma_start3A_46[%dma_start3A_47, %dma_start3A_48] : memref<80x128xi32, #tpu.memory_space<hbm>> -> memref<40x128xi32, #tpu.memory_space<hbm>>
      tpu.enqueue_dma source(%dma_start3A_49 : memref<40x128xi32, #tpu.memory_space<hbm>>) target(%arg7 : memref<40x128xi32, #tpu.memory_space<vmem>>) target_semaphore(%run_scoped3A : memref<!tpu.dma_semaphore, #tpu.memory_space<semaphore_mem>>)
      %dma_wait3A = arith.constant 0 : i32
      %dma_wait3A_50 = arith.constant 0 : i32
      %dma_wait3A_51 = tpu.memref_slice %arg4[%add3A, %dma_wait3A, %dma_wait3A_50] : memref<32x80x128xi32, #tpu.memory_space<hbm>> -> memref<1x80x128xi32, #tpu.memory_space<hbm>>
      %dma_wait3A_52 = tpu.memref_squeeze %dma_wait3A_51 : memref<1x80x128xi32, #tpu.memory_space<hbm>> -> memref<80x128xi32, #tpu.memory_space<hbm>>
      %dma_wait3A_53 = arith.constant 40 : i32
      %dma_wait3A_54 = arith.constant 0 : i32
      %dma_wait3A_55 = tpu.memref_slice %dma_wait3A_52[%dma_wait3A_53, %dma_wait3A_54] : memref<80x128xi32, #tpu.memory_space<hbm>> -> memref<40x128xi32, #tpu.memory_space<hbm>>
      %dma_wait3A_56 = arith.constant 0 : i32
      %dma_wait3A_57 = arith.constant 0 : i32
      %dma_wait3A_58 = tpu.memref_slice %arg4[%add3A, %dma_wait3A_56, %dma_wait3A_57] : memref<32x80x128xi32, #tpu.memory_space<hbm>> -> memref<1x80x128xi32, #tpu.memory_space<hbm>>
      %dma_wait3A_59 = tpu.memref_squeeze %dma_wait3A_58 : memref<1x80x128xi32, #tpu.memory_space<hbm>> -> memref<80x128xi32, #tpu.memory_space<hbm>>
      %dma_wait3A_60 = arith.constant 40 : i32
      %dma_wait3A_61 = arith.constant 0 : i32
      %dma_wait3A_62 = tpu.memref_slice %dma_wait3A_59[%dma_wait3A_60, %dma_wait3A_61] : memref<80x128xi32, #tpu.memory_space<hbm>> -> memref<40x128xi32, #tpu.memory_space<hbm>>
      tpu.wait_dma2 semaphore(%run_scoped3A : memref<!tpu.dma_semaphore, #tpu.memory_space<semaphore_mem>>) src(%dma_wait3A_62 : memref<40x128xi32, #tpu.memory_space<hbm>>) dst(%arg7 : memref<40x128xi32, #tpu.memory_space<vmem>>)
      tpu.yield
    }) : () -> ()
    %dma_start3A_21 = arith.constant 0 : i32
    %dma_start3A_22 = arith.constant 0 : i32
    %dma_start3A_23 = tpu.memref_slice %arg6[%dma_start3A_21, %dma_start3A_22] : memref<40x128xi32, #tpu.memory_space<vmem>> -> memref<1x128xi32, #tpu.memory_space<vmem>>
    %dma_start3A_24 = tpu.memref_squeeze %dma_start3A_23 : memref<1x128xi32, #tpu.memory_space<vmem>> -> memref<128xi32, #tpu.memory_space<vmem>>
    %dma_start3A_25 = arith.constant 0 : i32
    %dma_start3A_26 = arith.constant 0 : i32
    %dma_start3A_27 = tpu.memref_slice %arg2[%dma_start3A_25, %dma_start3A_26] : memref<10240x128xf32, #tpu.memory_space<hbm>> -> memref<10240x128xf32, #tpu.memory_space<hbm>>
    tpu.enqueue_indirect_dma source(%dma_start3A_27 : memref<10240x128xf32, #tpu.memory_space<hbm>>) target(%arg8 : memref<128x128xf32, #tpu.memory_space<vmem>>) offsets(%dma_start3A_24 : memref<128xi32, #tpu.memory_space<vmem>>) semaphore(%arg12 : memref<!tpu.dma_semaphore, #tpu.memory_space<semaphore_mem>>)
    %scan3A_28 = arith.constant 0 : i32
    %scan3A_29 = arith.constant 20 : i32
    %scan3A_30 = arith.addi %scan3A_28, %scan3A_29 : i32
    %scan3A_31 = arith.constant 1 : i32
    scf.for %scan3A_36 = %scan3A_28 to %scan3A_30 step %scan3A_31  : i32 {
      %mul3A_37 = arith.constant 2 : i32
      %mul3A_38 = arith.muli %mul3A_37, %scan3A_36 : i32
      %add3A_39 = arith.constant 1 : i32
      %add3A_40 = arith.addi %mul3A_38, %add3A_39 : i32
      %dma_start3A_41 = arith.constant 0 : i32
      %dma_start3A_42 = tpu.memref_slice %arg6[%add3A_40, %dma_start3A_41] : memref<40x128xi32, #tpu.memory_space<vmem>> -> memref<1x128xi32, #tpu.memory_space<vmem>>
      %dma_start3A_43 = tpu.memref_squeeze %dma_start3A_42 : memref<1x128xi32, #tpu.memory_space<vmem>> -> memref<128xi32, #tpu.memory_space<vmem>>
      %dma_start3A_44 = arith.constant 0 : i32
      %dma_start3A_45 = arith.constant 0 : i32
      %dma_start3A_46 = tpu.memref_slice %arg2[%dma_start3A_44, %dma_start3A_45] : memref<10240x128xf32, #tpu.memory_space<hbm>> -> memref<10240x128xf32, #tpu.memory_space<hbm>>
      tpu.enqueue_indirect_dma source(%dma_start3A_46 : memref<10240x128xf32, #tpu.memory_space<hbm>>) target(%arg9 : memref<128x128xf32, #tpu.memory_space<vmem>>) offsets(%dma_start3A_43 : memref<128xi32, #tpu.memory_space<vmem>>) semaphore(%arg13 : memref<!tpu.dma_semaphore, #tpu.memory_space<semaphore_mem>>)
      %dma_wait3A = arith.constant 0 : i32
      %dma_wait3A_47 = tpu.memref_slice %arg6[%mul3A_38, %dma_wait3A] : memref<40x128xi32, #tpu.memory_space<vmem>> -> memref<1x128xi32, #tpu.memory_space<vmem>>
      %dma_wait3A_48 = tpu.memref_squeeze %dma_wait3A_47 : memref<1x128xi32, #tpu.memory_space<vmem>> -> memref<128xi32, #tpu.memory_space<vmem>>
      %dma_wait3A_49 = arith.constant 0 : i32
      %dma_wait3A_50 = arith.constant 0 : i32
      %dma_wait3A_51 = tpu.memref_slice %arg2[%dma_wait3A_49, %dma_wait3A_50] : memref<10240x128xf32, #tpu.memory_space<hbm>> -> memref<10240x128xf32, #tpu.memory_space<hbm>>
      tpu.wait_indirect_dma semaphore(%arg12 : memref<!tpu.dma_semaphore, #tpu.memory_space<semaphore_mem>>) src(%dma_wait3A_51 : memref<10240x128xf32, #tpu.memory_space<hbm>>) dst(%arg8 : memref<128x128xf32, #tpu.memory_space<vmem>>)
      "tpu.region"() ({
        %run_scoped3A = tpu.sem_alloc : memref<!tpu.dma_semaphore, #tpu.memory_space<semaphore_mem>>
        %dma_start3A_64 = arith.constant 0 : i32
        %dma_start3A_65 = tpu.memref_slice %arg7[%mul3A_38, %dma_start3A_64] : memref<40x128xi32, #tpu.memory_space<vmem>> -> memref<1x128xi32, #tpu.memory_space<vmem>>
        %dma_start3A_66 = tpu.memref_squeeze %dma_start3A_65 : memref<1x128xi32, #tpu.memory_space<vmem>> -> memref<128xi32, #tpu.memory_space<vmem>>
        %dma_start3A_67 = arith.constant 0 : i32
        %dma_start3A_68 = arith.constant 0 : i32
        %dma_start3A_69 = tpu.memref_slice %arg11[%dma_start3A_67, %dma_start3A_68] : memref<10240x128xf32, #tpu.memory_space<vmem_shared>> -> memref<10240x128xf32, #tpu.memory_space<vmem_shared>>
        tpu.enqueue_indirect_dma source(%arg8 : memref<128x128xf32, #tpu.memory_space<vmem>>) target(%dma_start3A_69 : memref<10240x128xf32, #tpu.memory_space<vmem_shared>>) offsets(%dma_start3A_66 : memref<128xi32, #tpu.memory_space<vmem>>) semaphore(%run_scoped3A : memref<!tpu.dma_semaphore, #tpu.memory_space<semaphore_mem>>) {add = true}
        %dma_wait3A_70 = arith.constant 0 : i32
        %dma_wait3A_71 = tpu.memref_slice %arg7[%mul3A_38, %dma_wait3A_70] : memref<40x128xi32, #tpu.memory_space<vmem>> -> memref<1x128xi32, #tpu.memory_space<vmem>>
        %dma_wait3A_72 = tpu.memref_squeeze %dma_wait3A_71 : memref<1x128xi32, #tpu.memory_space<vmem>> -> memref<128xi32, #tpu.memory_space<vmem>>
        %dma_wait3A_73 = arith.constant 0 : i32
        %dma_wait3A_74 = arith.constant 0 : i32
        %dma_wait3A_75 = tpu.memref_slice %arg11[%dma_wait3A_73, %dma_wait3A_74] : memref<10240x128xf32, #tpu.memory_space<vmem_shared>> -> memref<10240x128xf32, #tpu.memory_space<vmem_shared>>
        tpu.wait_indirect_dma semaphore(%run_scoped3A : memref<!tpu.dma_semaphore, #tpu.memory_space<semaphore_mem>>) src(%arg8 : memref<128x128xf32, #tpu.memory_space<vmem>>) dst(%dma_wait3A_75 : memref<10240x128xf32, #tpu.memory_space<vmem_shared>>)
        tpu.yield
      }) : () -> ()
      %lt3A = arith.constant 19 : i32
      %lt3A_52 = arith.cmpi slt, %scan3A_36, %lt3A : i32
      %convert_element_type3A = arith.extui %lt3A_52 : i1 to i32
      %cond3A = arith.constant 0 : i32
      %cond3A_53 = arith.cmpi ne, %convert_element_type3A, %cond3A : i32
      scf.if %cond3A_53 {
        %add3A_64 = arith.constant 2 : i32
        %add3A_65 = arith.addi %mul3A_38, %add3A_64 : i32
        %dma_start3A_66 = arith.constant 0 : i32
        %dma_start3A_67 = tpu.memref_slice %arg6[%add3A_65, %dma_start3A_66] : memref<40x128xi32, #tpu.memory_space<vmem>> -> memref<1x128xi32, #tpu.memory_space<vmem>>
        %dma_start3A_68 = tpu.memref_squeeze %dma_start3A_67 : memref<1x128xi32, #tpu.memory_space<vmem>> -> memref<128xi32, #tpu.memory_space<vmem>>
        %dma_start3A_69 = arith.constant 0 : i32
        %dma_start3A_70 = arith.constant 0 : i32
        %dma_start3A_71 = tpu.memref_slice %arg2[%dma_start3A_69, %dma_start3A_70] : memref<10240x128xf32, #tpu.memory_space<hbm>> -> memref<10240x128xf32, #tpu.memory_space<hbm>>
        tpu.enqueue_indirect_dma source(%dma_start3A_71 : memref<10240x128xf32, #tpu.memory_space<hbm>>) target(%arg8 : memref<128x128xf32, #tpu.memory_space<vmem>>) offsets(%dma_start3A_68 : memref<128xi32, #tpu.memory_space<vmem>>) semaphore(%arg12 : memref<!tpu.dma_semaphore, #tpu.memory_space<semaphore_mem>>)
      } else {
      }
      %add3A_54 = arith.constant 1 : i32
      %add3A_55 = arith.addi %mul3A_38, %add3A_54 : i32
      %dma_wait3A_56 = arith.constant 0 : i32
      %dma_wait3A_57 = tpu.memref_slice %arg6[%add3A_55, %dma_wait3A_56] : memref<40x128xi32, #tpu.memory_space<vmem>> -> memref<1x128xi32, #tpu.memory_space<vmem>>
      %dma_wait3A_58 = tpu.memref_squeeze %dma_wait3A_57 : memref<1x128xi32, #tpu.memory_space<vmem>> -> memref<128xi32, #tpu.memory_space<vmem>>
      %dma_wait3A_59 = arith.constant 0 : i32
      %dma_wait3A_60 = arith.constant 0 : i32
      %dma_wait3A_61 = tpu.memref_slice %arg2[%dma_wait3A_59, %dma_wait3A_60] : memref<10240x128xf32, #tpu.memory_space<hbm>> -> memref<10240x128xf32, #tpu.memory_space<hbm>>
      tpu.wait_indirect_dma semaphore(%arg13 : memref<!tpu.dma_semaphore, #tpu.memory_space<semaphore_mem>>) src(%dma_wait3A_61 : memref<10240x128xf32, #tpu.memory_space<hbm>>) dst(%arg9 : memref<128x128xf32, #tpu.memory_space<vmem>>)
      %add3A_62 = arith.constant 1 : i32
      %add3A_63 = arith.addi %mul3A_38, %add3A_62 : i32
      "tpu.region"() ({
        %run_scoped3A = tpu.sem_alloc : memref<!tpu.dma_semaphore, #tpu.memory_space<semaphore_mem>>
        %dma_start3A_64 = arith.constant 0 : i32
        %dma_start3A_65 = tpu.memref_slice %arg7[%add3A_63, %dma_start3A_64] : memref<40x128xi32, #tpu.memory_space<vmem>> -> memref<1x128xi32, #tpu.memory_space<vmem>>
        %dma_start3A_66 = tpu.memref_squeeze %dma_start3A_65 : memref<1x128xi32, #tpu.memory_space<vmem>> -> memref<128xi32, #tpu.memory_space<vmem>>
        %dma_start3A_67 = arith.constant 0 : i32
        %dma_start3A_68 = arith.constant 0 : i32
        %dma_start3A_69 = tpu.memref_slice %arg11[%dma_start3A_67, %dma_start3A_68] : memref<10240x128xf32, #tpu.memory_space<vmem_shared>> -> memref<10240x128xf32, #tpu.memory_space<vmem_shared>>
        tpu.enqueue_indirect_dma source(%arg9 : memref<128x128xf32, #tpu.memory_space<vmem>>) target(%dma_start3A_69 : memref<10240x128xf32, #tpu.memory_space<vmem_shared>>) offsets(%dma_start3A_66 : memref<128xi32, #tpu.memory_space<vmem>>) semaphore(%run_scoped3A : memref<!tpu.dma_semaphore, #tpu.memory_space<semaphore_mem>>) {add = true}
        %dma_wait3A_70 = arith.constant 0 : i32
        %dma_wait3A_71 = tpu.memref_slice %arg7[%add3A_63, %dma_wait3A_70] : memref<40x128xi32, #tpu.memory_space<vmem>> -> memref<1x128xi32, #tpu.memory_space<vmem>>
        %dma_wait3A_72 = tpu.memref_squeeze %dma_wait3A_71 : memref<1x128xi32, #tpu.memory_space<vmem>> -> memref<128xi32, #tpu.memory_space<vmem>>
        %dma_wait3A_73 = arith.constant 0 : i32
        %dma_wait3A_74 = arith.constant 0 : i32
        %dma_wait3A_75 = tpu.memref_slice %arg11[%dma_wait3A_73, %dma_wait3A_74] : memref<10240x128xf32, #tpu.memory_space<vmem_shared>> -> memref<10240x128xf32, #tpu.memory_space<vmem_shared>>
        tpu.wait_indirect_dma semaphore(%run_scoped3A : memref<!tpu.dma_semaphore, #tpu.memory_space<semaphore_mem>>) src(%arg9 : memref<128x128xf32, #tpu.memory_space<vmem>>) dst(%dma_wait3A_75 : memref<10240x128xf32, #tpu.memory_space<vmem_shared>>)
        tpu.yield
      }) : () -> ()
    }
    %scan3A_32 = arith.constant 20 : i32
    %barrier3A_33 = arith.constant 0 : index
    tpu.barrier barrier_id(%barrier3A_33)
    %mul3A_34 = arith.constant 640 : i32
    %mul3A_35 = arith.muli %arg1, %mul3A_34 : i32
    "tpu.region"() ({
      %run_scoped3A = tpu.sem_alloc : memref<!tpu.dma_semaphore, #tpu.memory_space<semaphore_mem>>
      %dma_start3A_36 = arith.constant 0 : i32
      %dma_start3A_37 = arith.constant 0 : i32
      %dma_start3A_38 = tpu.memref_slice %arg5[%arg0, %dma_start3A_36, %dma_start3A_37] : memref<2x10240x128xf32, #tpu.memory_space<hbm>> -> memref<1x10240x128xf32, #tpu.memory_space<hbm>>
      %dma_start3A_39 = tpu.memref_squeeze %dma_start3A_38 : memref<1x10240x128xf32, #tpu.memory_space<hbm>> -> memref<10240x128xf32, #tpu.memory_space<hbm>>
      %dma_start3A_40 = arith.constant 0 : i32
      %dma_start3A_41 = tpu.memref_slice %dma_start3A_39[%mul3A_35, %dma_start3A_40] : memref<10240x128xf32, #tpu.memory_space<hbm>> -> memref<640x128xf32, #tpu.memory_space<hbm>>
      %dma_start3A_42 = arith.constant 0 : i32
      %dma_start3A_43 = tpu.memref_slice %arg11[%mul3A_35, %dma_start3A_42] : memref<10240x128xf32, #tpu.memory_space<vmem_shared>> -> memref<640x128xf32, #tpu.memory_space<vmem_shared>>
      tpu.enqueue_dma source(%dma_start3A_43 : memref<640x128xf32, #tpu.memory_space<vmem_shared>>) target(%dma_start3A_41 : memref<640x128xf32, #tpu.memory_space<hbm>>) target_semaphore(%run_scoped3A : memref<!tpu.dma_semaphore, #tpu.memory_space<semaphore_mem>>)
      %dma_wait3A = arith.constant 0 : i32
      %dma_wait3A_44 = arith.constant 0 : i32
      %dma_wait3A_45 = tpu.memref_slice %arg5[%arg0, %dma_wait3A, %dma_wait3A_44] : memref<2x10240x128xf32, #tpu.memory_space<hbm>> -> memref<1x10240x128xf32, #tpu.memory_space<hbm>>
      %dma_wait3A_46 = tpu.memref_squeeze %dma_wait3A_45 : memref<1x10240x128xf32, #tpu.memory_space<hbm>> -> memref<10240x128xf32, #tpu.memory_space<hbm>>
      %dma_wait3A_47 = arith.constant 0 : i32
      %dma_wait3A_48 = tpu.memref_slice %dma_wait3A_46[%mul3A_35, %dma_wait3A_47] : memref<10240x128xf32, #tpu.memory_space<hbm>> -> memref<640x128xf32, #tpu.memory_space<hbm>>
      %dma_wait3A_49 = arith.constant 0 : i32
      %dma_wait3A_50 = tpu.memref_slice %arg11[%mul3A_35, %dma_wait3A_49] : memref<10240x128xf32, #tpu.memory_space<vmem_shared>> -> memref<640x128xf32, #tpu.memory_space<vmem_shared>>
      tpu.wait_dma2 semaphore(%run_scoped3A : memref<!tpu.dma_semaphore, #tpu.memory_space<semaphore_mem>>) src(%dma_wait3A_50 : memref<640x128xf32, #tpu.memory_space<vmem_shared>>) dst(%dma_wait3A_48 : memref<640x128xf32, #tpu.memory_space<hbm>>)
      tpu.yield
    }) : () -> ()
    return
  }
}

#map = affine_map<(d0, d1) -> (0, 0)>
#map1 = affine_map<(d0, d1) -> (0, 0, 0)>
module attributes {stable_mosaic.version = 14 : i64} {
  func.func @prop(%arg0: i32, %arg1: i32, %arg2: memref<10240x48xf32, #tpu.memory_space<hbm>>, %arg3: memref<32x80x128xi32, #tpu.memory_space<hbm>>, %arg4: memref<32x80x128xi32, #tpu.memory_space<hbm>>, %arg5: memref<2x10240x48xf32, #tpu.memory_space<hbm>>, %arg6: memref<80x128xi32, #tpu.memory_space<vmem>>, %arg7: memref<80x128xi32, #tpu.memory_space<vmem>>, %arg8: memref<128x48xf32, #tpu.memory_space<vmem>>, %arg9: memref<128x48xf32, #tpu.memory_space<vmem>>, %arg10: memref<16x48xf32, #tpu.memory_space<vmem>>, %arg11: memref<10240x48xf32, #tpu.memory_space<vmem_shared>>, %arg12: memref<!tpu.dma_semaphore, #tpu.memory_space<semaphore_mem>>, %arg13: memref<!tpu.dma_semaphore, #tpu.memory_space<semaphore_mem>>) attributes {dimension_semantics = [#tpu.dimension_semantics<core_parallel>, #tpu.dimension_semantics<subcore_parallel>], iteration_bounds = array<i64: 2, 16>, scalar_prefetch = 0 : i64, scratch_operands = 8 : i64, tpu.core_type = #tpu.core_type<sc_vector_subcore>, window_params = [{transform_indices = #map}, {transform_indices = #map1}, {transform_indices = #map1}, {transform_indices = #map1}]} {
    %mul3A = arith.constant 2 : i32
    %mul3A_0 = arith.muli %arg1, %mul3A : i32
    %add3A = arith.addi %mul3A_0, %arg0 : i32
    %scan3A = arith.constant 0 : i32
    %scan3A_1 = arith.constant 48 : i32
    %scan3A_2 = arith.addi %scan3A, %scan3A_1 : i32
    %scan3A_3 = arith.constant 1 : i32
    scf.for %scan3A_24 = %scan3A to %scan3A_2 step %scan3A_3  : i32 {
      %broadcast_in_dim3A = arith.constant 0.000000e+00 : f32
      %broadcast_in_dim3A_25 = vector.broadcast %broadcast_in_dim3A : f32 to vector<16xf32>
      %jit3A = arith.constant 3 : i32
      %div3A = arith.divsi %scan3A_24, %jit3A : i32
      %sign3A = arith.constant 0 : i32
      %sign3A_26 = arith.cmpi sgt, %scan3A_24, %sign3A : i32
      %sign3A_27 = arith.extui %sign3A_26 : i1 to i32
      %sign3A_28 = arith.constant 0 : i32
      %sign3A_29 = arith.cmpi slt, %scan3A_24, %sign3A_28 : i32
      %sign3A_30 = arith.extui %sign3A_29 : i1 to i32
      %sign3A_31 = arith.subi %sign3A_27, %sign3A_30 : i32
      %sign3A_32 = arith.constant 0 : i32
      %sign3A_33 = arith.cmpi sgt, %jit3A, %sign3A_32 : i32
      %sign3A_34 = arith.extui %sign3A_33 : i1 to i32
      %sign3A_35 = arith.constant 0 : i32
      %sign3A_36 = arith.cmpi slt, %jit3A, %sign3A_35 : i32
      %sign3A_37 = arith.extui %sign3A_36 : i1 to i32
      %sign3A_38 = arith.subi %sign3A_34, %sign3A_37 : i32
      %ne3A = arith.cmpi ne, %sign3A_31, %sign3A_38 : i32
      %rem3A = arith.remsi %scan3A_24, %jit3A : i32
      %ne3A_39 = arith.constant 0 : i32
      %ne3A_40 = arith.cmpi ne, %rem3A, %ne3A_39 : i32
      %and3A = arith.andi %ne3A, %ne3A_40 : i1
      %sub3A = arith.constant 1 : i32
      %sub3A_41 = arith.subi %div3A, %sub3A : i32
      %select_n3A = arith.select %and3A, %sub3A_41, %div3A : i32
      %jit3A_42 = arith.constant 3 : i32
      %eq3A = arith.constant 0 : i32
      %eq3A_43 = arith.cmpi eq, %jit3A_42, %eq3A : i32
      %jit3A_44 = arith.constant 1 : i32
      %select_n3A_45 = arith.select %eq3A_43, %jit3A_44, %jit3A_42 : i32
      %rem3A_46 = arith.remsi %scan3A_24, %select_n3A_45 : i32
      %ne3A_47 = arith.constant 0 : i32
      %ne3A_48 = arith.cmpi ne, %rem3A_46, %ne3A_47 : i32
      %lt3A = arith.constant 0 : i32
      %lt3A_49 = arith.cmpi slt, %rem3A_46, %lt3A : i32
      %lt3A_50 = arith.constant 0 : i32
      %lt3A_51 = arith.cmpi slt, %select_n3A_45, %lt3A_50 : i32
      %ne3A_52 = arith.xori %lt3A_49, %lt3A_51 : i1
      %and3A_53 = arith.andi %ne3A_52, %ne3A_48 : i1
      %add3A_54 = arith.addi %rem3A_46, %select_n3A_45 : i32
      %select_n3A_55 = arith.select %and3A_53, %add3A_54, %rem3A_46 : i32
      %mul3A_56 = arith.constant 16 : i32
      %mul3A_57 = arith.muli %select_n3A_55, %mul3A_56 : i32
      %swap3A = arith.index_cast %select_n3A : i32 to index
      %swap3A_58 = arith.index_cast %mul3A_57 : i32 to index
      %swap3A_59 = tpu.vector_load %arg10[%swap3A, %swap3A_58] {strides = array<i32>} : memref<16x48xf32, #tpu.memory_space<vmem>>, vector<16xf32>,
      tpu.vector_store %arg10[%swap3A, %swap3A_58], %broadcast_in_dim3A_25 {strides = array<i32>} : memref<16x48xf32, #tpu.memory_space<vmem>>, vector<16xf32>,
    }
    %scan3A_4 = arith.constant 48 : i32
    %scan3A_5 = arith.constant 0 : i32
    %scan3A_6 = arith.constant 40 : i32
    %scan3A_7 = arith.addi %scan3A_5, %scan3A_6 : i32
    %scan3A_8 = arith.constant 1 : i32
    scf.for %scan3A_24 = %scan3A_5 to %scan3A_7 step %scan3A_8  : i32 {
      %mul3A_25 = arith.constant 640 : i32
      %mul3A_26 = arith.muli %arg1, %mul3A_25 : i32
      %mul3A_27 = arith.constant 16 : i32
      %mul3A_28 = arith.muli %scan3A_24, %mul3A_27 : i32
      %add3A_29 = arith.addi %mul3A_26, %mul3A_28 : i32
      "tpu.region"() ({
        %run_scoped3A = tpu.sem_alloc : memref<!tpu.dma_semaphore, #tpu.memory_space<semaphore_mem>>
        %dma_start3A_30 = arith.constant 0 : i32
        %dma_start3A_31 = tpu.memref_slice %arg11[%add3A_29, %dma_start3A_30] : memref<10240x48xf32, #tpu.memory_space<vmem_shared>> -> memref<16x48xf32, #tpu.memory_space<vmem_shared>>
        %dma_start3A_32 = arith.constant 0 : i32
        %dma_start3A_33 = tpu.memref_slice %arg11[%add3A_29, %dma_start3A_32] : memref<10240x48xf32, #tpu.memory_space<vmem_shared>> -> memref<16x48xf32, #tpu.memory_space<vmem_shared>>
        tpu.enqueue_dma source(%arg10 : memref<16x48xf32, #tpu.memory_space<vmem>>) target(%dma_start3A_33 : memref<16x48xf32, #tpu.memory_space<vmem_shared>>) target_semaphore(%run_scoped3A : memref<!tpu.dma_semaphore, #tpu.memory_space<semaphore_mem>>)
        %dma_wait3A = arith.constant 0 : i32
        %dma_wait3A_34 = tpu.memref_slice %arg11[%add3A_29, %dma_wait3A] : memref<10240x48xf32, #tpu.memory_space<vmem_shared>> -> memref<16x48xf32, #tpu.memory_space<vmem_shared>>
        %dma_wait3A_35 = arith.constant 0 : i32
        %dma_wait3A_36 = tpu.memref_slice %arg11[%add3A_29, %dma_wait3A_35] : memref<10240x48xf32, #tpu.memory_space<vmem_shared>> -> memref<16x48xf32, #tpu.memory_space<vmem_shared>>
        tpu.wait_dma2 semaphore(%run_scoped3A : memref<!tpu.dma_semaphore, #tpu.memory_space<semaphore_mem>>) src(%arg10 : memref<16x48xf32, #tpu.memory_space<vmem>>) dst(%dma_wait3A_36 : memref<16x48xf32, #tpu.memory_space<vmem_shared>>)
        tpu.yield
      }) : () -> ()
    }
    %scan3A_9 = arith.constant 40 : i32
    %barrier3A = arith.constant 0 : index
    tpu.barrier barrier_id(%barrier3A)
    "tpu.region"() ({
      %run_scoped3A = tpu.sem_alloc : memref<!tpu.dma_semaphore, #tpu.memory_space<semaphore_mem>>
      %dma_start3A_24 = arith.constant 0 : i32
      %dma_start3A_25 = arith.constant 0 : i32
      %dma_start3A_26 = tpu.memref_slice %arg3[%add3A, %dma_start3A_24, %dma_start3A_25] : memref<32x80x128xi32, #tpu.memory_space<hbm>> -> memref<1x80x128xi32, #tpu.memory_space<hbm>>
      %dma_start3A_27 = tpu.memref_squeeze %dma_start3A_26 : memref<1x80x128xi32, #tpu.memory_space<hbm>> -> memref<80x128xi32, #tpu.memory_space<hbm>>
      %dma_start3A_28 = arith.constant 0 : i32
      %dma_start3A_29 = arith.constant 0 : i32
      %dma_start3A_30 = tpu.memref_slice %dma_start3A_27[%dma_start3A_28, %dma_start3A_29] : memref<80x128xi32, #tpu.memory_space<hbm>> -> memref<80x128xi32, #tpu.memory_space<hbm>>
      %dma_start3A_31 = arith.constant 0 : i32
      %dma_start3A_32 = arith.constant 0 : i32
      %dma_start3A_33 = tpu.memref_slice %arg3[%add3A, %dma_start3A_31, %dma_start3A_32] : memref<32x80x128xi32, #tpu.memory_space<hbm>> -> memref<1x80x128xi32, #tpu.memory_space<hbm>>
      %dma_start3A_34 = tpu.memref_squeeze %dma_start3A_33 : memref<1x80x128xi32, #tpu.memory_space<hbm>> -> memref<80x128xi32, #tpu.memory_space<hbm>>
      %dma_start3A_35 = arith.constant 0 : i32
      %dma_start3A_36 = arith.constant 0 : i32
      %dma_start3A_37 = tpu.memref_slice %dma_start3A_34[%dma_start3A_35, %dma_start3A_36] : memref<80x128xi32, #tpu.memory_space<hbm>> -> memref<80x128xi32, #tpu.memory_space<hbm>>
      tpu.enqueue_dma source(%dma_start3A_37 : memref<80x128xi32, #tpu.memory_space<hbm>>) target(%arg6 : memref<80x128xi32, #tpu.memory_space<vmem>>) target_semaphore(%run_scoped3A : memref<!tpu.dma_semaphore, #tpu.memory_space<semaphore_mem>>)
      %dma_wait3A = arith.constant 0 : i32
      %dma_wait3A_38 = arith.constant 0 : i32
      %dma_wait3A_39 = tpu.memref_slice %arg3[%add3A, %dma_wait3A, %dma_wait3A_38] : memref<32x80x128xi32, #tpu.memory_space<hbm>> -> memref<1x80x128xi32, #tpu.memory_space<hbm>>
      %dma_wait3A_40 = tpu.memref_squeeze %dma_wait3A_39 : memref<1x80x128xi32, #tpu.memory_space<hbm>> -> memref<80x128xi32, #tpu.memory_space<hbm>>
      %dma_wait3A_41 = arith.constant 0 : i32
      %dma_wait3A_42 = arith.constant 0 : i32
      %dma_wait3A_43 = tpu.memref_slice %dma_wait3A_40[%dma_wait3A_41, %dma_wait3A_42] : memref<80x128xi32, #tpu.memory_space<hbm>> -> memref<80x128xi32, #tpu.memory_space<hbm>>
      %dma_wait3A_44 = arith.constant 0 : i32
      %dma_wait3A_45 = arith.constant 0 : i32
      %dma_wait3A_46 = tpu.memref_slice %arg3[%add3A, %dma_wait3A_44, %dma_wait3A_45] : memref<32x80x128xi32, #tpu.memory_space<hbm>> -> memref<1x80x128xi32, #tpu.memory_space<hbm>>
      %dma_wait3A_47 = tpu.memref_squeeze %dma_wait3A_46 : memref<1x80x128xi32, #tpu.memory_space<hbm>> -> memref<80x128xi32, #tpu.memory_space<hbm>>
      %dma_wait3A_48 = arith.constant 0 : i32
      %dma_wait3A_49 = arith.constant 0 : i32
      %dma_wait3A_50 = tpu.memref_slice %dma_wait3A_47[%dma_wait3A_48, %dma_wait3A_49] : memref<80x128xi32, #tpu.memory_space<hbm>> -> memref<80x128xi32, #tpu.memory_space<hbm>>
      tpu.wait_dma2 semaphore(%run_scoped3A : memref<!tpu.dma_semaphore, #tpu.memory_space<semaphore_mem>>) src(%dma_wait3A_50 : memref<80x128xi32, #tpu.memory_space<hbm>>) dst(%arg6 : memref<80x128xi32, #tpu.memory_space<vmem>>)
      tpu.yield
    }) : () -> ()
    "tpu.region"() ({
      %run_scoped3A = tpu.sem_alloc : memref<!tpu.dma_semaphore, #tpu.memory_space<semaphore_mem>>
      %dma_start3A_24 = arith.constant 0 : i32
      %dma_start3A_25 = arith.constant 0 : i32
      %dma_start3A_26 = tpu.memref_slice %arg4[%add3A, %dma_start3A_24, %dma_start3A_25] : memref<32x80x128xi32, #tpu.memory_space<hbm>> -> memref<1x80x128xi32, #tpu.memory_space<hbm>>
      %dma_start3A_27 = tpu.memref_squeeze %dma_start3A_26 : memref<1x80x128xi32, #tpu.memory_space<hbm>> -> memref<80x128xi32, #tpu.memory_space<hbm>>
      %dma_start3A_28 = arith.constant 0 : i32
      %dma_start3A_29 = arith.constant 0 : i32
      %dma_start3A_30 = tpu.memref_slice %dma_start3A_27[%dma_start3A_28, %dma_start3A_29] : memref<80x128xi32, #tpu.memory_space<hbm>> -> memref<80x128xi32, #tpu.memory_space<hbm>>
      %dma_start3A_31 = arith.constant 0 : i32
      %dma_start3A_32 = arith.constant 0 : i32
      %dma_start3A_33 = tpu.memref_slice %arg4[%add3A, %dma_start3A_31, %dma_start3A_32] : memref<32x80x128xi32, #tpu.memory_space<hbm>> -> memref<1x80x128xi32, #tpu.memory_space<hbm>>
      %dma_start3A_34 = tpu.memref_squeeze %dma_start3A_33 : memref<1x80x128xi32, #tpu.memory_space<hbm>> -> memref<80x128xi32, #tpu.memory_space<hbm>>
      %dma_start3A_35 = arith.constant 0 : i32
      %dma_start3A_36 = arith.constant 0 : i32
      %dma_start3A_37 = tpu.memref_slice %dma_start3A_34[%dma_start3A_35, %dma_start3A_36] : memref<80x128xi32, #tpu.memory_space<hbm>> -> memref<80x128xi32, #tpu.memory_space<hbm>>
      tpu.enqueue_dma source(%dma_start3A_37 : memref<80x128xi32, #tpu.memory_space<hbm>>) target(%arg7 : memref<80x128xi32, #tpu.memory_space<vmem>>) target_semaphore(%run_scoped3A : memref<!tpu.dma_semaphore, #tpu.memory_space<semaphore_mem>>)
      %dma_wait3A = arith.constant 0 : i32
      %dma_wait3A_38 = arith.constant 0 : i32
      %dma_wait3A_39 = tpu.memref_slice %arg4[%add3A, %dma_wait3A, %dma_wait3A_38] : memref<32x80x128xi32, #tpu.memory_space<hbm>> -> memref<1x80x128xi32, #tpu.memory_space<hbm>>
      %dma_wait3A_40 = tpu.memref_squeeze %dma_wait3A_39 : memref<1x80x128xi32, #tpu.memory_space<hbm>> -> memref<80x128xi32, #tpu.memory_space<hbm>>
      %dma_wait3A_41 = arith.constant 0 : i32
      %dma_wait3A_42 = arith.constant 0 : i32
      %dma_wait3A_43 = tpu.memref_slice %dma_wait3A_40[%dma_wait3A_41, %dma_wait3A_42] : memref<80x128xi32, #tpu.memory_space<hbm>> -> memref<80x128xi32, #tpu.memory_space<hbm>>
      %dma_wait3A_44 = arith.constant 0 : i32
      %dma_wait3A_45 = arith.constant 0 : i32
      %dma_wait3A_46 = tpu.memref_slice %arg4[%add3A, %dma_wait3A_44, %dma_wait3A_45] : memref<32x80x128xi32, #tpu.memory_space<hbm>> -> memref<1x80x128xi32, #tpu.memory_space<hbm>>
      %dma_wait3A_47 = tpu.memref_squeeze %dma_wait3A_46 : memref<1x80x128xi32, #tpu.memory_space<hbm>> -> memref<80x128xi32, #tpu.memory_space<hbm>>
      %dma_wait3A_48 = arith.constant 0 : i32
      %dma_wait3A_49 = arith.constant 0 : i32
      %dma_wait3A_50 = tpu.memref_slice %dma_wait3A_47[%dma_wait3A_48, %dma_wait3A_49] : memref<80x128xi32, #tpu.memory_space<hbm>> -> memref<80x128xi32, #tpu.memory_space<hbm>>
      tpu.wait_dma2 semaphore(%run_scoped3A : memref<!tpu.dma_semaphore, #tpu.memory_space<semaphore_mem>>) src(%dma_wait3A_50 : memref<80x128xi32, #tpu.memory_space<hbm>>) dst(%arg7 : memref<80x128xi32, #tpu.memory_space<vmem>>)
      tpu.yield
    }) : () -> ()
    %dma_start3A = arith.constant 0 : i32
    %dma_start3A_10 = arith.constant 0 : i32
    %dma_start3A_11 = tpu.memref_slice %arg6[%dma_start3A, %dma_start3A_10] : memref<80x128xi32, #tpu.memory_space<vmem>> -> memref<1x128xi32, #tpu.memory_space<vmem>>
    %dma_start3A_12 = tpu.memref_squeeze %dma_start3A_11 : memref<1x128xi32, #tpu.memory_space<vmem>> -> memref<128xi32, #tpu.memory_space<vmem>>
    %dma_start3A_13 = arith.constant 0 : i32
    %dma_start3A_14 = arith.constant 0 : i32
    %dma_start3A_15 = tpu.memref_slice %arg2[%dma_start3A_13, %dma_start3A_14] : memref<10240x48xf32, #tpu.memory_space<hbm>> -> memref<10240x48xf32, #tpu.memory_space<hbm>>
    tpu.enqueue_indirect_dma source(%dma_start3A_15 : memref<10240x48xf32, #tpu.memory_space<hbm>>) target(%arg8 : memref<128x48xf32, #tpu.memory_space<vmem>>) offsets(%dma_start3A_12 : memref<128xi32, #tpu.memory_space<vmem>>) semaphore(%arg12 : memref<!tpu.dma_semaphore, #tpu.memory_space<semaphore_mem>>)
    %scan3A_16 = arith.constant 0 : i32
    %scan3A_17 = arith.constant 40 : i32
    %scan3A_18 = arith.addi %scan3A_16, %scan3A_17 : i32
    %scan3A_19 = arith.constant 1 : i32
    scf.for %scan3A_24 = %scan3A_16 to %scan3A_18 step %scan3A_19  : i32 {
      %mul3A_25 = arith.constant 2 : i32
      %mul3A_26 = arith.muli %mul3A_25, %scan3A_24 : i32
      %add3A_27 = arith.constant 1 : i32
      %add3A_28 = arith.addi %mul3A_26, %add3A_27 : i32
      %dma_start3A_29 = arith.constant 0 : i32
      %dma_start3A_30 = tpu.memref_slice %arg6[%add3A_28, %dma_start3A_29] : memref<80x128xi32, #tpu.memory_space<vmem>> -> memref<1x128xi32, #tpu.memory_space<vmem>>
      %dma_start3A_31 = tpu.memref_squeeze %dma_start3A_30 : memref<1x128xi32, #tpu.memory_space<vmem>> -> memref<128xi32, #tpu.memory_space<vmem>>
      %dma_start3A_32 = arith.constant 0 : i32
      %dma_start3A_33 = arith.constant 0 : i32
      %dma_start3A_34 = tpu.memref_slice %arg2[%dma_start3A_32, %dma_start3A_33] : memref<10240x48xf32, #tpu.memory_space<hbm>> -> memref<10240x48xf32, #tpu.memory_space<hbm>>
      tpu.enqueue_indirect_dma source(%dma_start3A_34 : memref<10240x48xf32, #tpu.memory_space<hbm>>) target(%arg9 : memref<128x48xf32, #tpu.memory_space<vmem>>) offsets(%dma_start3A_31 : memref<128xi32, #tpu.memory_space<vmem>>) semaphore(%arg13 : memref<!tpu.dma_semaphore, #tpu.memory_space<semaphore_mem>>)
      %dma_wait3A = arith.constant 0 : i32
      %dma_wait3A_35 = tpu.memref_slice %arg6[%mul3A_26, %dma_wait3A] : memref<80x128xi32, #tpu.memory_space<vmem>> -> memref<1x128xi32, #tpu.memory_space<vmem>>
      %dma_wait3A_36 = tpu.memref_squeeze %dma_wait3A_35 : memref<1x128xi32, #tpu.memory_space<vmem>> -> memref<128xi32, #tpu.memory_space<vmem>>
      %dma_wait3A_37 = arith.constant 0 : i32
      %dma_wait3A_38 = arith.constant 0 : i32
      %dma_wait3A_39 = tpu.memref_slice %arg2[%dma_wait3A_37, %dma_wait3A_38] : memref<10240x48xf32, #tpu.memory_space<hbm>> -> memref<10240x48xf32, #tpu.memory_space<hbm>>
      tpu.wait_indirect_dma semaphore(%arg12 : memref<!tpu.dma_semaphore, #tpu.memory_space<semaphore_mem>>) src(%dma_wait3A_39 : memref<10240x48xf32, #tpu.memory_space<hbm>>) dst(%arg8 : memref<128x48xf32, #tpu.memory_space<vmem>>)
      "tpu.region"() ({
        %run_scoped3A = tpu.sem_alloc : memref<!tpu.dma_semaphore, #tpu.memory_space<semaphore_mem>>
        %dma_start3A_52 = arith.constant 0 : i32
        %dma_start3A_53 = tpu.memref_slice %arg7[%mul3A_26, %dma_start3A_52] : memref<80x128xi32, #tpu.memory_space<vmem>> -> memref<1x128xi32, #tpu.memory_space<vmem>>
        %dma_start3A_54 = tpu.memref_squeeze %dma_start3A_53 : memref<1x128xi32, #tpu.memory_space<vmem>> -> memref<128xi32, #tpu.memory_space<vmem>>
        %dma_start3A_55 = arith.constant 0 : i32
        %dma_start3A_56 = arith.constant 0 : i32
        %dma_start3A_57 = tpu.memref_slice %arg11[%dma_start3A_55, %dma_start3A_56] : memref<10240x48xf32, #tpu.memory_space<vmem_shared>> -> memref<10240x48xf32, #tpu.memory_space<vmem_shared>>
        tpu.enqueue_indirect_dma source(%arg8 : memref<128x48xf32, #tpu.memory_space<vmem>>) target(%dma_start3A_57 : memref<10240x48xf32, #tpu.memory_space<vmem_shared>>) offsets(%dma_start3A_54 : memref<128xi32, #tpu.memory_space<vmem>>) semaphore(%run_scoped3A : memref<!tpu.dma_semaphore, #tpu.memory_space<semaphore_mem>>) {add = true}
        %dma_wait3A_58 = arith.constant 0 : i32
        %dma_wait3A_59 = tpu.memref_slice %arg7[%mul3A_26, %dma_wait3A_58] : memref<80x128xi32, #tpu.memory_space<vmem>> -> memref<1x128xi32, #tpu.memory_space<vmem>>
        %dma_wait3A_60 = tpu.memref_squeeze %dma_wait3A_59 : memref<1x128xi32, #tpu.memory_space<vmem>> -> memref<128xi32, #tpu.memory_space<vmem>>
        %dma_wait3A_61 = arith.constant 0 : i32
        %dma_wait3A_62 = arith.constant 0 : i32
        %dma_wait3A_63 = tpu.memref_slice %arg11[%dma_wait3A_61, %dma_wait3A_62] : memref<10240x48xf32, #tpu.memory_space<vmem_shared>> -> memref<10240x48xf32, #tpu.memory_space<vmem_shared>>
        tpu.wait_indirect_dma semaphore(%run_scoped3A : memref<!tpu.dma_semaphore, #tpu.memory_space<semaphore_mem>>) src(%arg8 : memref<128x48xf32, #tpu.memory_space<vmem>>) dst(%dma_wait3A_63 : memref<10240x48xf32, #tpu.memory_space<vmem_shared>>)
        tpu.yield
      }) : () -> ()
      %lt3A = arith.constant 39 : i32
      %lt3A_40 = arith.cmpi slt, %scan3A_24, %lt3A : i32
      %convert_element_type3A = arith.extui %lt3A_40 : i1 to i32
      %cond3A = arith.constant 0 : i32
      %cond3A_41 = arith.cmpi ne, %convert_element_type3A, %cond3A : i32
      scf.if %cond3A_41 {
        %add3A_52 = arith.constant 2 : i32
        %add3A_53 = arith.addi %mul3A_26, %add3A_52 : i32
        %dma_start3A_54 = arith.constant 0 : i32
        %dma_start3A_55 = tpu.memref_slice %arg6[%add3A_53, %dma_start3A_54] : memref<80x128xi32, #tpu.memory_space<vmem>> -> memref<1x128xi32, #tpu.memory_space<vmem>>
        %dma_start3A_56 = tpu.memref_squeeze %dma_start3A_55 : memref<1x128xi32, #tpu.memory_space<vmem>> -> memref<128xi32, #tpu.memory_space<vmem>>
        %dma_start3A_57 = arith.constant 0 : i32
        %dma_start3A_58 = arith.constant 0 : i32
        %dma_start3A_59 = tpu.memref_slice %arg2[%dma_start3A_57, %dma_start3A_58] : memref<10240x48xf32, #tpu.memory_space<hbm>> -> memref<10240x48xf32, #tpu.memory_space<hbm>>
        tpu.enqueue_indirect_dma source(%dma_start3A_59 : memref<10240x48xf32, #tpu.memory_space<hbm>>) target(%arg8 : memref<128x48xf32, #tpu.memory_space<vmem>>) offsets(%dma_start3A_56 : memref<128xi32, #tpu.memory_space<vmem>>) semaphore(%arg12 : memref<!tpu.dma_semaphore, #tpu.memory_space<semaphore_mem>>)
      } else {
      }
      %add3A_42 = arith.constant 1 : i32
      %add3A_43 = arith.addi %mul3A_26, %add3A_42 : i32
      %dma_wait3A_44 = arith.constant 0 : i32
      %dma_wait3A_45 = tpu.memref_slice %arg6[%add3A_43, %dma_wait3A_44] : memref<80x128xi32, #tpu.memory_space<vmem>> -> memref<1x128xi32, #tpu.memory_space<vmem>>
      %dma_wait3A_46 = tpu.memref_squeeze %dma_wait3A_45 : memref<1x128xi32, #tpu.memory_space<vmem>> -> memref<128xi32, #tpu.memory_space<vmem>>
      %dma_wait3A_47 = arith.constant 0 : i32
      %dma_wait3A_48 = arith.constant 0 : i32
      %dma_wait3A_49 = tpu.memref_slice %arg2[%dma_wait3A_47, %dma_wait3A_48] : memref<10240x48xf32, #tpu.memory_space<hbm>> -> memref<10240x48xf32, #tpu.memory_space<hbm>>
      tpu.wait_indirect_dma semaphore(%arg13 : memref<!tpu.dma_semaphore, #tpu.memory_space<semaphore_mem>>) src(%dma_wait3A_49 : memref<10240x48xf32, #tpu.memory_space<hbm>>) dst(%arg9 : memref<128x48xf32, #tpu.memory_space<vmem>>)
      %add3A_50 = arith.constant 1 : i32
      %add3A_51 = arith.addi %mul3A_26, %add3A_50 : i32
      "tpu.region"() ({
        %run_scoped3A = tpu.sem_alloc : memref<!tpu.dma_semaphore, #tpu.memory_space<semaphore_mem>>
        %dma_start3A_52 = arith.constant 0 : i32
        %dma_start3A_53 = tpu.memref_slice %arg7[%add3A_51, %dma_start3A_52] : memref<80x128xi32, #tpu.memory_space<vmem>> -> memref<1x128xi32, #tpu.memory_space<vmem>>
        %dma_start3A_54 = tpu.memref_squeeze %dma_start3A_53 : memref<1x128xi32, #tpu.memory_space<vmem>> -> memref<128xi32, #tpu.memory_space<vmem>>
        %dma_start3A_55 = arith.constant 0 : i32
        %dma_start3A_56 = arith.constant 0 : i32
        %dma_start3A_57 = tpu.memref_slice %arg11[%dma_start3A_55, %dma_start3A_56] : memref<10240x48xf32, #tpu.memory_space<vmem_shared>> -> memref<10240x48xf32, #tpu.memory_space<vmem_shared>>
        tpu.enqueue_indirect_dma source(%arg9 : memref<128x48xf32, #tpu.memory_space<vmem>>) target(%dma_start3A_57 : memref<10240x48xf32, #tpu.memory_space<vmem_shared>>) offsets(%dma_start3A_54 : memref<128xi32, #tpu.memory_space<vmem>>) semaphore(%run_scoped3A : memref<!tpu.dma_semaphore, #tpu.memory_space<semaphore_mem>>) {add = true}
        %dma_wait3A_58 = arith.constant 0 : i32
        %dma_wait3A_59 = tpu.memref_slice %arg7[%add3A_51, %dma_wait3A_58] : memref<80x128xi32, #tpu.memory_space<vmem>> -> memref<1x128xi32, #tpu.memory_space<vmem>>
        %dma_wait3A_60 = tpu.memref_squeeze %dma_wait3A_59 : memref<1x128xi32, #tpu.memory_space<vmem>> -> memref<128xi32, #tpu.memory_space<vmem>>
        %dma_wait3A_61 = arith.constant 0 : i32
        %dma_wait3A_62 = arith.constant 0 : i32
        %dma_wait3A_63 = tpu.memref_slice %arg11[%dma_wait3A_61, %dma_wait3A_62] : memref<10240x48xf32, #tpu.memory_space<vmem_shared>> -> memref<10240x48xf32, #tpu.memory_space<vmem_shared>>
        tpu.wait_indirect_dma semaphore(%run_scoped3A : memref<!tpu.dma_semaphore, #tpu.memory_space<semaphore_mem>>) src(%arg9 : memref<128x48xf32, #tpu.memory_space<vmem>>) dst(%dma_wait3A_63 : memref<10240x48xf32, #tpu.memory_space<vmem_shared>>)
        tpu.yield
      }) : () -> ()
    }
    %scan3A_20 = arith.constant 40 : i32
    %barrier3A_21 = arith.constant 0 : index
    tpu.barrier barrier_id(%barrier3A_21)
    %mul3A_22 = arith.constant 640 : i32
    %mul3A_23 = arith.muli %arg1, %mul3A_22 : i32
    "tpu.region"() ({
      %run_scoped3A = tpu.sem_alloc : memref<!tpu.dma_semaphore, #tpu.memory_space<semaphore_mem>>
      %dma_start3A_24 = arith.constant 0 : i32
      %dma_start3A_25 = arith.constant 0 : i32
      %dma_start3A_26 = tpu.memref_slice %arg5[%arg0, %dma_start3A_24, %dma_start3A_25] : memref<2x10240x48xf32, #tpu.memory_space<hbm>> -> memref<1x10240x48xf32, #tpu.memory_space<hbm>>
      %dma_start3A_27 = tpu.memref_squeeze %dma_start3A_26 : memref<1x10240x48xf32, #tpu.memory_space<hbm>> -> memref<10240x48xf32, #tpu.memory_space<hbm>>
      %dma_start3A_28 = arith.constant 0 : i32
      %dma_start3A_29 = tpu.memref_slice %dma_start3A_27[%mul3A_23, %dma_start3A_28] : memref<10240x48xf32, #tpu.memory_space<hbm>> -> memref<640x48xf32, #tpu.memory_space<hbm>>
      %dma_start3A_30 = arith.constant 0 : i32
      %dma_start3A_31 = tpu.memref_slice %arg11[%mul3A_23, %dma_start3A_30] : memref<10240x48xf32, #tpu.memory_space<vmem_shared>> -> memref<640x48xf32, #tpu.memory_space<vmem_shared>>
      tpu.enqueue_dma source(%dma_start3A_31 : memref<640x48xf32, #tpu.memory_space<vmem_shared>>) target(%dma_start3A_29 : memref<640x48xf32, #tpu.memory_space<hbm>>) target_semaphore(%run_scoped3A : memref<!tpu.dma_semaphore, #tpu.memory_space<semaphore_mem>>)
      %dma_wait3A = arith.constant 0 : i32
      %dma_wait3A_32 = arith.constant 0 : i32
      %dma_wait3A_33 = tpu.memref_slice %arg5[%arg0, %dma_wait3A, %dma_wait3A_32] : memref<2x10240x48xf32, #tpu.memory_space<hbm>> -> memref<1x10240x48xf32, #tpu.memory_space<hbm>>
      %dma_wait3A_34 = tpu.memref_squeeze %dma_wait3A_33 : memref<1x10240x48xf32, #tpu.memory_space<hbm>> -> memref<10240x48xf32, #tpu.memory_space<hbm>>
      %dma_wait3A_35 = arith.constant 0 : i32
      %dma_wait3A_36 = tpu.memref_slice %dma_wait3A_34[%mul3A_23, %dma_wait3A_35] : memref<10240x48xf32, #tpu.memory_space<hbm>> -> memref<640x48xf32, #tpu.memory_space<hbm>>
      %dma_wait3A_37 = arith.constant 0 : i32
      %dma_wait3A_38 = tpu.memref_slice %arg11[%mul3A_23, %dma_wait3A_37] : memref<10240x48xf32, #tpu.memory_space<vmem_shared>> -> memref<640x48xf32, #tpu.memory_space<vmem_shared>>
      tpu.wait_dma2 semaphore(%run_scoped3A : memref<!tpu.dma_semaphore, #tpu.memory_space<semaphore_mem>>) src(%dma_wait3A_38 : memref<640x48xf32, #tpu.memory_space<vmem_shared>>) dst(%dma_wait3A_36 : memref<640x48xf32, #tpu.memory_space<hbm>>)
      tpu.yield
    }) : () -> ()
    return
  }
}

module attributes {stable_mosaic.version = 14 : i64} {
  func.func @_tc1_body(%arg0: memref<10000x128xf32, #tpu.memory_space<vmem>>, %arg1: memref<128x128xf32, #tpu.memory_space<vmem>>, %arg2: memref<32x10240xf32, #tpu.memory_space<vmem>>, %arg3: memref<10240x128xf32, #tpu.memory_space<vmem>>, %arg4: memref<10000x1xf32, #tpu.memory_space<vmem>>) attributes {dimension_semantics = [], scalar_prefetch = 0 : i64, scratch_operands = 0 : i64, tpu.core_type = #tpu.core_type<tc>} {
    %get3A = arith.constant 0 : index
    %get3A_0 = arith.constant 0 : index
    %get3A_1 = vector.load %arg2[%get3A, %get3A_0] : memref<32x10240xf32, #tpu.memory_space<vmem>>, vector<32x10240xf32>
    %reduce_sum3A = arith.constant dense<0.000000e+00> : vector<10240xf32>
    %reduce_sum3A_2 = vector.multi_reduction <add>, %get3A_1, %reduce_sum3A [0] : vector<32x10240xf32> to vector<10240xf32>
    %slice3A = vector.extract_strided_slice %reduce_sum3A_2 {offsets = [0], sizes = [10000], strides = [1]} : vector<10240xf32> to vector<10000xf32>
    %add3A = arith.constant 1.000000e+00 : f32
    %add3A_3 = vector.broadcast %add3A : f32 to vector<10000xf32>
    %add3A_4 = arith.addf %slice3A, %add3A_3 : vector<10000xf32>
    %jit3A = arith.constant 1.000000e+00 : f32
    %max3A = vector.broadcast %jit3A : f32 to vector<10000xf32>
    %max3A_5 = arith.maximumf %max3A, %add3A_4 : vector<10000xf32>
    %rsqrt3A = math.rsqrt %max3A_5 : vector<10000xf32>
    %get3A_6 = arith.constant 0 : index
    %get3A_7 = arith.constant 0 : index
    %get3A_8 = vector.load %arg0[%get3A_6, %get3A_7] : memref<10000x128xf32, #tpu.memory_space<vmem>>, vector<10000x128xf32>
    %get3A_9 = arith.constant 0 : index
    %get3A_10 = arith.constant 0 : index
    %get3A_11 = vector.load %arg1[%get3A_9, %get3A_10] : memref<128x128xf32, #tpu.memory_space<vmem>>, vector<128x128xf32>
    %dot_general3A = arith.constant dense<0.000000e+00> : vector<10000x128xf32>
    %dot_general3A_12 = tpu.matmul %get3A_8, %get3A_11, %dot_general3A {dimension_numbers = #tpu.dot_dimension_numbers<[1], [0], [0], [1], [0, 0, 1, 1], [], []>, transpose_lhs_hint = false} : vector<10000x128xf32>, vector<128x128xf32>, vector<10000x128xf32> -> vector<10000x128xf32>
    %broadcast_in_dim3A = vector.shape_cast %rsqrt3A : vector<10000xf32> to vector<10000x1xf32>
    %mul3A = vector.broadcast %broadcast_in_dim3A : vector<10000x1xf32> to vector<10000x128xf32>
    %mul3A_13 = arith.mulf %dot_general3A_12, %mul3A : vector<10000x128xf32>
    %swap3A = arith.constant 0 : index
    %swap3A_14 = arith.constant 0 : index
    %swap3A_15 = vector.load %arg3[%swap3A, %swap3A_14] : memref<10240x128xf32, #tpu.memory_space<vmem>>, vector<10000x128xf32>
    tpu.vector_store %arg3[%swap3A, %swap3A_14], %mul3A_13 {strides = array<i32>} : memref<10240x128xf32, #tpu.memory_space<vmem>>, vector<10000x128xf32>,
    %broadcast_in_dim3A_16 = arith.constant 0.000000e+00 : f32
    %broadcast_in_dim3A_17 = vector.broadcast %broadcast_in_dim3A_16 : f32 to vector<240x128xf32>
    %swap3A_18 = arith.constant 10000 : index
    %swap3A_19 = arith.constant 0 : index
    %swap3A_20 = vector.load %arg3[%swap3A_18, %swap3A_19] : memref<10240x128xf32, #tpu.memory_space<vmem>>, vector<240x128xf32>
    tpu.vector_store %arg3[%swap3A_18, %swap3A_19], %broadcast_in_dim3A_17 {strides = array<i32>} : memref<10240x128xf32, #tpu.memory_space<vmem>>, vector<240x128xf32>,
    %broadcast_in_dim3A_21 = vector.shape_cast %rsqrt3A : vector<10000xf32> to vector<10000x1xf32>
    %swap3A_22 = arith.constant 0 : index
    %swap3A_23 = arith.constant 0 : index
    %swap3A_24 = vector.load %arg4[%swap3A_22, %swap3A_23] : memref<10000x1xf32, #tpu.memory_space<vmem>>, vector<10000x1xf32>
    tpu.vector_store %arg4[%swap3A_22, %swap3A_23], %broadcast_in_dim3A_21 {strides = array<i32>} : memref<10000x1xf32, #tpu.memory_space<vmem>>, vector<10000x1xf32>,
    return
  }
}

module attributes {stable_mosaic.version = 14 : i64} {
  func.func @_tc2_body(%arg0: memref<2x10240x128xf32, #tpu.memory_space<vmem>>, %arg1: memref<10240x128xf32, #tpu.memory_space<vmem>>, %arg2: memref<10000x1xf32, #tpu.memory_space<vmem>>, %arg3: memref<1x128xf32, #tpu.memory_space<vmem>>, %arg4: memref<128x48xf32, #tpu.memory_space<vmem>>, %arg5: memref<10240x48xf32, #tpu.memory_space<vmem>>) attributes {dimension_semantics = [], scalar_prefetch = 0 : i64, scratch_operands = 0 : i64, tpu.core_type = #tpu.core_type<tc>} {
    %get3A = arith.constant 0 : index
    %get3A_0 = arith.constant 0 : index
    %get3A_1 = vector.load %arg2[%get3A, %get3A_0] : memref<10000x1xf32, #tpu.memory_space<vmem>>, vector<10000x1xf32>
    %get3A_2 = arith.constant 0 : index
    %get3A_3 = arith.constant 0 : index
    %get3A_4 = arith.constant 0 : index
    %get3A_5 = vector.load %arg0[%get3A_2, %get3A_3, %get3A_4] : memref<2x10240x128xf32, #tpu.memory_space<vmem>>, vector<1x10000x128xf32>
    %get3A_6 = vector.shape_cast %get3A_5 : vector<1x10000x128xf32> to vector<10000x128xf32>
    %get3A_7 = arith.constant 1 : index
    %get3A_8 = arith.constant 0 : index
    %get3A_9 = arith.constant 0 : index
    %get3A_10 = vector.load %arg0[%get3A_7, %get3A_8, %get3A_9] : memref<2x10240x128xf32, #tpu.memory_space<vmem>>, vector<1x10000x128xf32>
    %get3A_11 = vector.shape_cast %get3A_10 : vector<1x10000x128xf32> to vector<10000x128xf32>
    %add3A = arith.addf %get3A_6, %get3A_11 : vector<10000x128xf32>
    %get3A_12 = arith.constant 0 : index
    %get3A_13 = arith.constant 0 : index
    %get3A_14 = vector.load %arg1[%get3A_12, %get3A_13] : memref<10240x128xf32, #tpu.memory_space<vmem>>, vector<10000x128xf32>
    %add3A_15 = arith.addf %add3A, %get3A_14 : vector<10000x128xf32>
    %mul3A = vector.broadcast %get3A_1 : vector<10000x1xf32> to vector<10000x128xf32>
    %mul3A_16 = arith.mulf %add3A_15, %mul3A : vector<10000x128xf32>
    %get3A_17 = arith.constant 0 : index
    %get3A_18 = arith.constant 0 : index
    %get3A_19 = vector.load %arg3[%get3A_17, %get3A_18] : memref<1x128xf32, #tpu.memory_space<vmem>>, vector<1x128xf32>
    %add3A_20 = vector.broadcast %get3A_19 : vector<1x128xf32> to vector<10000x128xf32>
    %add3A_21 = arith.addf %mul3A_16, %add3A_20 : vector<10000x128xf32>
    %max3A = arith.constant 0.000000e+00 : f32
    %max3A_22 = vector.broadcast %max3A : f32 to vector<10000x128xf32>
    %max3A_23 = arith.maximumf %add3A_21, %max3A_22 : vector<10000x128xf32>
    %get3A_24 = arith.constant 0 : index
    %get3A_25 = arith.constant 0 : index
    %get3A_26 = vector.load %arg4[%get3A_24, %get3A_25] : memref<128x48xf32, #tpu.memory_space<vmem>>, vector<128x48xf32>
    %dot_general3A = arith.constant dense<0.000000e+00> : vector<10000x48xf32>
    %dot_general3A_27 = tpu.matmul %max3A_23, %get3A_26, %dot_general3A {dimension_numbers = #tpu.dot_dimension_numbers<[1], [0], [0], [1], [0, 0, 1, 1], [], []>, transpose_lhs_hint = false} : vector<10000x128xf32>, vector<128x48xf32>, vector<10000x48xf32> -> vector<10000x48xf32>
    %mul3A_28 = vector.broadcast %get3A_1 : vector<10000x1xf32> to vector<10000x48xf32>
    %mul3A_29 = arith.mulf %dot_general3A_27, %mul3A_28 : vector<10000x48xf32>
    %swap3A = arith.constant 0 : index
    %swap3A_30 = arith.constant 0 : index
    %swap3A_31 = vector.load %arg5[%swap3A, %swap3A_30] : memref<10240x48xf32, #tpu.memory_space<vmem>>, vector<10000x48xf32>
    tpu.vector_store %arg5[%swap3A, %swap3A_30], %mul3A_29 {strides = array<i32>} : memref<10240x48xf32, #tpu.memory_space<vmem>>, vector<10000x48xf32>,
    %broadcast_in_dim3A = arith.constant 0.000000e+00 : f32
    %broadcast_in_dim3A_32 = vector.broadcast %broadcast_in_dim3A : f32 to vector<240x48xf32>
    %swap3A_33 = arith.constant 10000 : index
    %swap3A_34 = arith.constant 0 : index
    %swap3A_35 = vector.load %arg5[%swap3A_33, %swap3A_34] : memref<10240x48xf32, #tpu.memory_space<vmem>>, vector<240x48xf32>
    tpu.vector_store %arg5[%swap3A_33, %swap3A_34], %broadcast_in_dim3A_32 {strides = array<i32>} : memref<10240x48xf32, #tpu.memory_space<vmem>>, vector<240x48xf32>,
    return
  }
}

module attributes {stable_mosaic.version = 14 : i64} {
  func.func @_tc3_body(%arg0: memref<2x10240x48xf32, #tpu.memory_space<vmem>>, %arg1: memref<10240x48xf32, #tpu.memory_space<vmem>>, %arg2: memref<10000x1xf32, #tpu.memory_space<vmem>>, %arg3: memref<1x48xf32, #tpu.memory_space<vmem>>, %arg4: memref<10000x48xf32, #tpu.memory_space<vmem>>) attributes {dimension_semantics = [], scalar_prefetch = 0 : i64, scratch_operands = 0 : i64, tpu.core_type = #tpu.core_type<tc>} {
    %get3A = arith.constant 0 : index
    %get3A_0 = arith.constant 0 : index
    %get3A_1 = vector.load %arg2[%get3A, %get3A_0] : memref<10000x1xf32, #tpu.memory_space<vmem>>, vector<10000x1xf32>
    %get3A_2 = arith.constant 0 : index
    %get3A_3 = arith.constant 0 : index
    %get3A_4 = arith.constant 0 : index
    %get3A_5 = vector.load %arg0[%get3A_2, %get3A_3, %get3A_4] : memref<2x10240x48xf32, #tpu.memory_space<vmem>>, vector<1x10000x48xf32>
    %get3A_6 = vector.shape_cast %get3A_5 : vector<1x10000x48xf32> to vector<10000x48xf32>
    %get3A_7 = arith.constant 1 : index
    %get3A_8 = arith.constant 0 : index
    %get3A_9 = arith.constant 0 : index
    %get3A_10 = vector.load %arg0[%get3A_7, %get3A_8, %get3A_9] : memref<2x10240x48xf32, #tpu.memory_space<vmem>>, vector<1x10000x48xf32>
    %get3A_11 = vector.shape_cast %get3A_10 : vector<1x10000x48xf32> to vector<10000x48xf32>
    %add3A = arith.addf %get3A_6, %get3A_11 : vector<10000x48xf32>
    %get3A_12 = arith.constant 0 : index
    %get3A_13 = arith.constant 0 : index
    %get3A_14 = vector.load %arg1[%get3A_12, %get3A_13] : memref<10240x48xf32, #tpu.memory_space<vmem>>, vector<10000x48xf32>
    %add3A_15 = arith.addf %add3A, %get3A_14 : vector<10000x48xf32>
    %mul3A = vector.broadcast %get3A_1 : vector<10000x1xf32> to vector<10000x48xf32>
    %mul3A_16 = arith.mulf %add3A_15, %mul3A : vector<10000x48xf32>
    %get3A_17 = arith.constant 0 : index
    %get3A_18 = arith.constant 0 : index
    %get3A_19 = vector.load %arg3[%get3A_17, %get3A_18] : memref<1x48xf32, #tpu.memory_space<vmem>>, vector<1x48xf32>
    %add3A_20 = vector.broadcast %get3A_19 : vector<1x48xf32> to vector<10000x48xf32>
    %add3A_21 = arith.addf %mul3A_16, %add3A_20 : vector<10000x48xf32>
    %iota3A = tpu.iota {dimensions = array<i32: 1>} : vector<1x48xi32>
    %lt3A = arith.constant 40 : i32
    %lt3A_22 = vector.broadcast %lt3A : i32 to vector<1x48xi32>
    %lt3A_23 = arith.cmpi slt, %iota3A, %lt3A_22 : vector<1x48xi32>
    %jit3A = arith.constant -1.000000e+30 : f32
    %broadcast_in_dim3A = vector.shape_cast %lt3A_23 : vector<1x48xi1> to vector<1x48xi1>
    %broadcast_in_dim3A_24 = vector.broadcast %broadcast_in_dim3A : vector<1x48xi1> to vector<10000x48xi1>
    %broadcast_in_dim3A_25 = vector.broadcast %jit3A : f32 to vector<10000x48xf32>
    %select_n3A = arith.select %broadcast_in_dim3A_24, %add3A_21, %broadcast_in_dim3A_25 : vector<10000x48xi1>, vector<10000x48xf32>
    %reduce_max3A = arith.constant dense<0xFF800000> : vector<10000xf32>
    %reduce_max3A_26 = vector.multi_reduction <maximumf>, %select_n3A, %reduce_max3A [1] : vector<10000x48xf32> to vector<10000xf32>
    %broadcast_in_dim3A_27 = vector.shape_cast %reduce_max3A_26 : vector<10000xf32> to vector<10000x1xf32>
    %sub3A = vector.broadcast %broadcast_in_dim3A_27 : vector<10000x1xf32> to vector<10000x48xf32>
    %sub3A_28 = arith.subf %select_n3A, %sub3A : vector<10000x48xf32>
    %exp3A = math.exp %sub3A_28 : vector<10000x48xf32>
    %reduce_sum3A = arith.constant dense<0.000000e+00> : vector<10000xf32>
    %reduce_sum3A_29 = vector.multi_reduction <add>, %exp3A, %reduce_sum3A [1] : vector<10000x48xf32> to vector<10000xf32>
    %broadcast_in_dim3A_30 = vector.shape_cast %reduce_sum3A_29 : vector<10000xf32> to vector<10000x1xf32>
    %log3A = math.log %broadcast_in_dim3A_30 : vector<10000x1xf32>
    %sub3A_31 = vector.broadcast %log3A : vector<10000x1xf32> to vector<10000x48xf32>
    %sub3A_32 = arith.subf %sub3A_28, %sub3A_31 : vector<10000x48xf32>
    %swap3A = arith.constant 0 : index
    %swap3A_33 = arith.constant 0 : index
    %swap3A_34 = vector.load %arg4[%swap3A, %swap3A_33] : memref<10000x48xf32, #tpu.memory_space<vmem>>, vector<10000x48xf32>
    tpu.vector_store %arg4[%swap3A, %swap3A_33], %sub3A_32 {strides = array<i32>} : memref<10000x48xf32, #tpu.memory_space<vmem>>, vector<10000x48xf32>,
    return
  }
}

</mosaic_0001>

<sc_bundles>
// kernel: kernel.11.cloned.1.call-start
scs
__scs_entry_jumppad:
0x0: {  	(pc) =	sbr.rel $0x88, $3  }
0x1: {  	(tag) =	ssettag $0x0;
	lr =	simm.s32 $0x1  }
0x2: {  	[smem:$0x3F9B] =	sst lr;
	_ =	strace $0xD0000000  }
0x3: {  	_ = 	snop  }
0x4: {  	_ = 	snop  }
0x5: {  	_ = 	snop  }
0x6: {  	_ = 	snop  }
0x7: {  	_ = 	snop  }
__scs_overlays_trampoline_lowered:
0x8: {  	[smem:$0x3FAA] =	sst s0  }
0x9: {  	[smem:$0x3FAB] =	sst s1  }
0xa: {  	[smem:$0x3FAC] =	sst s2  }
0xb: {  	[smem:$0x3FAD] =	sst s3  }
0xc: {  	[smem:$0x3FAE] =	sst s4  }
0xd: {  	[smem:$0x3FAF] =	sst s5  }
0xe: {  	[smem:$0x3FB0] =	sst s6  }
0xf: {  	[smem:$0x3FB1] =	sst s7  }
0x10: {  	[smem:$0x3FB2] =	sst s8  }
0x11: {  	[smem:$0x3FB3] =	sst s9;
	s0 =	simm.s32 @!p0 $0x0  }
0x12: {  	s1 =	sld [smem:$0x3F99];
	s0 =	simm.s32 @p0 $0x1  }
0x13: {  	[smem:$0x3FB4] =	sst s0;
	s0 =	simm.s32 @!p1 $0x0  }
0x14: {  	s2 =	sld [smem:$0x3F98];
	s0 =	simm.s32 @p1 $0x1  }
0x15: {  	[smem:$0x3FB5] =	sst s0;
	s0 =	simm.s32 @!p2 $0x0  }
0x16: {  	s3 =	sld [smem:$0x3FDB];
	s0 =	simm.s32 @p2 $0x1  }
0x17: {  	s4 =	simm.s32 $0x1BF5;
	[smem:$0x3FB7] =	sst s0  }
0x18: {  	s0 =	sld [smem:$0x3F9A];
	_ =	swait.ge [sflag:s4], $0x0  }
0x19: {  	s7 =	sld [smem:$0x3F9B]  }
0x1a: {  	s8 =	sadd.s32 $0xFFFFE003, lr  }
0x1b: {  	s9 =	sadd.s32 $0xFFFFFEF7, lr;
	s5 =	simm.s32 $0xFFFFFFFF;
	p2 =	slt.u32 s8, $0xFFFFF086  }
0x1c: {  	p1 =	slt.u32 s9, $0xF7A;
	s5 =	simm.s32 @!p2 $0x0  }
0x1d: {  	s5 =	simm.s32 @p1 $0x1;
	p0 =	seq.s32 s7, s2  }
0x1e: {  	s7 =	smul.u32 @!p0 $0xF7A, s2;
	p2 =	seq.s32 @!p0 s5, $0x0  }
0x1f: {  	s9 =	smul.u32 $0xF7A, s1;
	s8 =	simm.s32 @!p0 $0x1BF5;
	p2 =	por !p2, p0  }
0x20: {  	[sflag:s8] =	ssyncset.s32 @!p0 $0xFFFFF086;
	s6 =	sadd.s32 @!p0 s3, s7;
	s7 =	simm.s32 @!p0 $0x108  }
0x21: {  	s3 =	sadd.s32 s3, s9;
	s6 =	sadd.s32 @!p0 $0x88, s6;
	s7 =	simm.s32 @p2 $0x1082  }
0x22: {  	[simem:s7], [sflag:s8] =	dma.local @!p0 [hbm:s6], $0xF7A  }
0x23: {  	s9 =	sor.u32 $0xD0000000, s2;
	s6 =	simm.s32 $0x108;
	_ =	swait.ge @!p0 [sflag:s8], $0x0  }
0x24: {  	s3 =	sadd.s32 $0x88, s3;
	s6 =	simm.s32 @!p1 $0x1082;
	[sflag:s4] =	ssyncset.s32 $0xFFFFF086  }
0x25: {  	[simem:s6], [sflag:s4] =	dma.local [hbm:s3], $0xF7A  }
0x26: {  	[smem:$0x3F9B] =	sst s1;
	(tag) =	ssettag s2;
	_ =	strace s9  }
0x27: {  	s1 =	sld [smem:$0x3FAB]  }
0x28: {  	s2 =	sld [smem:$0x3FAC]  }
0x29: {  	s4 =	sld [smem:$0x3FAE]  }
0x2a: {  	p0 =	seq.s32 s5, $0x0;
	s5 =	sld [smem:$0x3FAF]  }
0x2b: {  	s6 =	sld [smem:$0x3FB0]  }
0x2c: {  	s7 =	sld [smem:$0x3FB1]  }
0x2d: {  	s3 =	simm.s32 $0x108;
	s8 =	sld [smem:$0x3FB2]  }
0x2e: {  	s3 =	simm.s32 @!p0 $0x1082;
	s9 =	sld [smem:$0x3FB3]  }
0x2f: {  	lr =	sadd.s32 s0, s3;
	s0 =	sld [smem:$0x3FAA]  }
0x30: {  	s3 =	sld [smem:$0x3FAD]  }
0x31: {  	[smem:$0x3FB6] =	sst s10  }
0x32: {  	s10 =	sld [smem:$0x3FB4];
	_ =	sdelay $0x3  }
0x33: {  	p0 =	seq.s32 s10, $0x1;
	s10 =	sld [smem:$0x3FB6];
	_ =	sdelay $0x3  }
0x34: {  	[smem:$0x3FB6] =	sst s10  }
0x35: {  	s10 =	sld [smem:$0x3FB5];
	_ =	sdelay $0x3  }
0x36: {  	p1 =	seq.s32 s10, $0x1;
	s10 =	sld [smem:$0x3FB6];
	_ =	sdelay $0x3  }
0x37: {  	[smem:$0x3FB6] =	sst s10  }
0x38: {  	s10 =	sld [smem:$0x3FB7]  }
0x39: {  	_ = 	snop;
	(pc) =	sbr.ind lr, $3  }
0x3a: {  	_ = 	snop  }
0x3b: {  	_ = 	snop  }
0x3c: {  	p2 =	seq.s32 s10, $0x1;
	s10 =	sld [smem:$0x3FB6]  }
0x3d: {  	_ =	shalt  }
0x3e: {  	_ =	shalt  }
0x3f: {  	_ =	shalt  }
0x40: {  	_ =	shalt  }
0x41: {  	_ =	shalt  }
0x42: {  	_ =	shalt  }
0x43: {  	_ =	shalt  }
0x44: {  	_ =	shalt  }
0x45: {  	_ =	shalt  }
0x46: {  	_ =	shalt  }
0x47: {  	_ =	shalt  }
0x48: {  	_ =	shalt  }
0x49: {  	_ =	shalt  }
0x4a: {  	_ =	shalt  }
0x4b: {  	_ =	shalt  }
0x4c: {  	_ =	shalt  }
0x4d: {  	_ =	shalt  }
0x4e: {  	_ =	shalt  }
0x4f: {  	_ =	shalt  }
0x50: {  	_ =	shalt  }
0x51: {  	_ =	shalt  }
0x52: {  	_ =	shalt  }
0x53: {  	_ =	shalt  }
0x54: {  	_ =	shalt  }
0x55: {  	_ =	shalt  }
0x56: {  	_ =	shalt  }
0x57: {  	_ =	shalt  }
0x58: {  	_ =	shalt  }
0x59: {  	_ =	shalt  }
0x5a: {  	_ =	shalt  }
0x5b: {  	_ =	shalt  }
0x5c: {  	_ =	shalt  }
0x5d: {  	_ =	shalt  }
0x5e: {  	_ =	shalt  }
0x5f: {  	_ =	shalt  }
0x60: {  	_ =	shalt  }
0x61: {  	_ =	shalt  }
0x62: {  	_ =	shalt  }
0x63: {  	_ =	shalt  }
0x64: {  	_ =	shalt  }
0x65: {  	_ =	shalt  }
0x66: {  	_ =	shalt  }
0x67: {  	_ =	shalt  }
0x68: {  	_ =	shalt  }
0x69: {  	_ =	shalt  }
0x6a: {  	_ =	shalt  }
0x6b: {  	_ =	shalt  }
0x6c: {  	_ =	shalt  }
0x6d: {  	_ =	shalt  }
0x6e: {  	_ =	shalt  }
0x6f: {  	_ =	shalt  }
0x70: {  	_ =	shalt  }
0x71: {  	_ =	shalt  }
0x72: {  	_ =	shalt  }
0x73: {  	_ =	shalt  }
0x74: {  	_ =	shalt  }
0x75: {  	_ =	shalt  }
0x76: {  	_ =	shalt  }
0x77: {  	_ =	shalt  }
0x78: {  	_ =	shalt  }
0x79: {  	_ =	shalt  }
0x7a: {  	_ =	shalt  }
0x7b: {  	_ =	shalt  }
0x7c: {  	_ =	shalt  }
0x7d: {  	_ =	shalt  }
0x7e: {  	_ =	shalt  }
0x7f: {  	_ =	shalt  }
0x80: {  	_ =	shalt  }
0x81: {  	_ =	shalt  }
0x82: {  	_ =	shalt  }
0x83: {  	_ =	shalt  }
0x84: {  	_ =	shalt  }
0x85: {  	_ =	shalt  }
0x86: {  	_ =	shalt  }
0x87: {  	_ =	shalt  }
.Lfunc_end0:
.L_simem_size_0:
called_computation.1_lowered:
.L_overlay_start_0:
0x88: {  	s2 =	sld [smem:$0x3FD9]  }
0x89: {  	s3 =	sld [smem:$0x3FFE];
	_ =	sdelay $0x1  }
0x8a: {  	s1 =	srdreg.scid  }
0x8b: {  	s0 =	sand.u32 $0x1, s1  }
0x8c: {  	s17 =	sshll.u32 s0, $0xA;
	s2 =	sadd.s32 s3, s2  }
0x8d: {  	s2 =	sadd.s32 s2, s17  }
0x8e: {  	[smem:$0x3FC2] =	sst s2  }
0x8f: {  	_ = 	snop  }
0x90: {  	s2 =	sld [smem:$0x3FD0];
	(tm) =	ssettm $0x1  }
0x91: {  	s18 =	sld [smem:$0x3FFB];
	_ =	sdelay $0x3  }
0x92: {  	_ =	strace s18  }
0x93: {  	s3 =	sld [smem:$0x3FFC];
	_ =	sdelay $0x3  }
0x94: {  	_ =	strace s3  }
0x95: {  	s3 =	sld [smem:$0x3FFD];
	_ =	sdelay $0x3  }
0x96: {  	_ =	strace s3  }
0x97: {  	_ =	strace $0x8FFFFFFF  }
0x98: {  	s19 =	sld [smem:$0x3FDB];
	_ =	sdelay $0x1  }
0x99: {  	s4 =	simm.s32 $_scs_section_size  }
0x9a: {  	s5 =	simm.s32 $_size__tile_overlayer_lowered;
	s6 =	simm.s32 $_tile_overlayer_lowered  }
0x9b: {  	s22 =	simm.s32 $0x1BFF;
	s21 =	sshll.u32 s6, $0x1;
	s3 =	sadd.s32 s4, s19  }
0x9c: {  	s7 =	simm.s32 $0x0;
	s20 =	sshll.u32 s5, $0x1;
	s5 =	sadd.s32 s21, s3  }
0x9d: {  	[timem:s7], [sflag:s22] =	dma.local [hbm:s5], s20  }
0x9e: {  	_ =	swait.ge [sflag:s22], s20  }
0x9f: {  	s4 =	ssub.s32 $0x0, s20;
	[sflag:s22] =	ssyncset.done $0x0  }
0xa0: {  	[sflag:s22] =	ssyncadd.s32 s4;
	_ =	sdelay $0x1  }
0xa1: {  	s23 =	simm.s32 $0x1B8B  }
0xa2: {  	_ =	swait.ge [sflag:s23], $0x1  }
0xa3: {  	[sflag:s23] =	ssyncset.done $0x0  }
0xa4: {  	s25 =	simm.s32 $0x1B8E;
	s24 =	sld [smem:$0x3FFE];
	[sflag:s23] =	ssyncadd.s32 $0xFFFFFFFF  }
0xa5: {  	s26 =	simm.s32 $execute0_lowered;
	[smem:$0x3FD2] =	sst s25  }
0xa6: {  	s5 =	sshll.u32 s26, $0x1;
	_ =	strace $0x80000049;
	[dreg:$0x1] =	wrdreg $0xFFFFFFFF  }
0xa7: {  	s28 =	simm.s32 $_size_execute0_lowered;
	s3 =	sadd.s32 s3, s5;
	[dreg:$0x0] =	wrdreg $0x0  }
0xa8: {  	s5 =	sshll.u32 s28, $0x1;
	[dreg:$0x2] =	wrdreg s3  }
0xa9: {  	[dreg:$0x3] =	wrdreg s5  }
0xaa: {  	[dreg:$0x4] =	wrdreg $0xC0  }
0xab: {  	_ =	task [dreg:s7], $0x5FFFF  }
0xac: {  	[dreg:$0x1] =	wrdreg $0xFFFFFFFF  }
0xad: {  	[dreg:$0x0] =	wrdreg $0x60  }
0xae: {  	[dreg:$0x2] =	wrdreg s24  }
0xaf: {  	[dreg:$0x3] =	wrdreg s2  }
0xb0: {  	[dreg:$0x4] =	wrdreg $0xB0000  }
0xb1: {  	[dreg:$0x5] =	wrdreg $0x9  }
0xb2: {  	_ =	task.clear_ibuf [dreg:s7], $0x6FFFF;
	_ =	strace $0x90000049  }
0xb3: {  	s29 =	simm.s32 $0x9;
	_ =	strace $0x8000004B  }
0xb4: {  	_ =	swait.ge [sflag:s29], $0x1  }
0xb5: {  	[sflag:s29] =	ssyncadd.s32 $0xFFFFFFFF  }
0xb6: {  	_ =	strace $0x9000004B  }
0xb7: {  	_ =	sfence  }
0xb8: {  	s30 =	sld [smem:$0x0];
	_ =	sdelay $0x2  }
0xb9: {  	s31 =	sshll.u32 s1, $0xD;
	s1 =	sshrl.u32 s1, $0x2  }
0xba: {  	s3 =	sand.u32 $0x4000, s31;
	s1 =	sadd.s32 s1, s30  }
0xbb: {  	s0 =	sor.u32 s3, s0;
	s1 =	sshll.u32 s1, $0x11  }
0xbc: {  	s0 =	sor.u32 s1, s0  }
0xbd: {  	s0 =	sadd.s32 $0x8F2B, s0  }
0xbe: {  	[sflag:s0] =	ssyncadd.remote.s32 $0x1  }
0xbf: {  	_ =	sfence.sel $0xFFFF  }
0xc0: {  	[dreg:$0x0] =	wrdreg $0xFFFFFFFF;
	(pc) =	sbr.abs _section_cstart, $3  }
0xc1: {  	[dreg:$0x1] =	wrdreg $0xFFFFFFFF  }
0xc2: {  	_ =	task.clear_ibuf [dreg:s7], $0x2FFFF;
	_ =	strace $0x9FFFFFFF  }
0xc3: {  	(tm) =	ssettm $0x7FFFFFFF  }
tec
execute0_lowered:
.L_overlay_start_1:
0x0: {  	(tag) =	ssettag $0x1  }
0x1: {  	s5 =	rddreg [dreg:$0x0];
	s1 =	srdreg.scid  }
0x2: {  	s0 =	stileid.u32;
	s7 =	rddreg [dreg:$0x1]  }
0x3: {  	s2 =	rddreg [dreg:$0x2];
	s3 =	simm.s32 $0x0;
	s14 =	simm.s32 $0x6800  }
0x4: {  	s15 =	simm.s32 $0x1;
	s16 =	simm.s32 $0x2;
	s17 =	simm.s32 $0x1380  }
0x5: {  	s18 =	simm.s32 $0x2700;
	s19 =	simm.s32 $0x2780;
	s6 =	sand.u32 $0x1, s1  }
0x6: {  	s30 =	sshll.u32 s0, $0x1;
	s1 =	rddreg [dreg:$0x3];
	s10 =	smul.u32 $0x50000, s0  }
0x7: {  	[smem:$0x7FF] =	sst s3;
	s12 =	smul.u32 $0x14000, s0;
	s4 =	sor.u32 s6, s30  }
0x8: {  	s9 =	smul.u32 $0x28000, s6;
	_ =	strace $0x8000004A;
	s31 =	ssub.s32 $0x2, s6  }
0x9: {  	s8 =	smul.u32 $0x500, s4;
	s4 =	sadd.s32 $0x16200, s5;
	s6 =	sshrl.u32 s31, $0x1  }
0xa: {  	s10 =	sshrl.u32 s10, $0x2;
	s21 =	sshrl.u32 s12, $0x3;
	s22 =	sadd.s32 s12, s2  }
0xb: {  	s12 =	simm.s32 $0x80;
	s9 =	sadd.s32 s9, s5;
	s13 =	ssub.s32 s31, s6  }
0xc: {  	s11 =	sadd.s32 s8, s5;
	s5 =	sadd.s32 s10, s2;
	s7 =	sadd.s32 s7, s8  }
0xd: {  	s20 =	sadd.s32 $0x3E200, s9;
	s8 =	smax.u32 s13, $0x1;
	s9 =	simm.s32 $0xA800  }
0xe: {  	s10 =	simm.s32 $0x3;
	s13 =	simm.s32 $0x2800;
	s6 =	sadd.s32 $0xC200, s11  }
0xf: {  	v0 =	vimm.f32 $0.0e+00;
	s11 =	simm.s32 $0x1400;
	s20 =	sadd.s32 s21, s20;
	s21 =	sshrl.u32 s22, $0x3  }
.LBB2_1:
0x10: {  	s22 =	simm.s32 $0x0;
	s23 =	simm.s32 $0x0  }
.LBB2_2:
0x11: {  	p0 =	sne.s32 s23, $0x1FC0  }
.Ltmp0:
0x12: {  	_ = 	snop;
	(pc) =	sbr.rel @p0 .LBB2_2-.Ltmp0, $4  }
0x13: {  	s24 =	sand.u32 $0x1E00, s23  }
0x14: {  	s25 =	sand.u32 $0x70, s22;
	s24 =	sshrl.u32 s24, $0x2  }
0x15: {  	s24 =	sor.u32 s25, s24  }
0x16: {  	s22 =	sadd.s32 $0x10, s22;
	s23 =	sadd.s32 $0x40, s23;
	[tilespmem:s24+$0xA800] =	vst v0  }
0x17: {  	s22 =	sadd.s32 $0x0, s5  }
0x18: {  	[spmem:s22] =	stream.linear.scatter [tilespmem:s9], [sflag:$0x3], $0x800, $0x38;
	[tilespmem:$0x1F000] =	vst v63  }
0x19: {  	s22 =	simm.s32 $0x2000;
	_ =	swait.ge [sflag:s10], $0x800  }
.LBB2_4:
0x1a: {  	s23 =	sshra.s32 s22, $0x2;
	[sflag:s10] =	ssyncset.done $0x0;
	p0 =	sne.s32 s22, $0x4E000  }
.Ltmp1:
0x1b: {  	s23 =	sadd.s32 s23, s5;
	[sflag:s10] =	ssyncadd.s32 $0xFFFFF800;
	(pc) =	sbr.rel @p0 .LBB2_4-.Ltmp1, $3  }
0x1c: {  	[spmem:s23] =	stream.linear.scatter [tilespmem:s9], [sflag:$0x3], $0x800, $0x38;
	[tilespmem:$0x1F000] =	vst v63  }
0x1d: {  	s22 =	sadd.s32 $0x2000, s22;
	_ =	sdelay $0x1  }
0x1e: {  	_ =	swait.ge [sflag:s10], $0x800  }
0x1f: {  	[sflag:s10] =	ssyncset.done $0x0  }
0x20: {  	[sflag:s10] =	ssyncadd.s32 $0xFFFFF800  }
0x21: {  	s22 =	simm.s32 $0x0;
	[bflag:$0x0] =	sbarrier.arrive $0xFFFF  }
0x22: {  	[tilespmem:s22], [sflag:$0x3] =	stream.linear.gather [hbm4b:s6+s22], $0x1400, $0x38;
	[tilespmem:$0x1F000] =	vst v63  }
0x23: {  	_ =	swait.ge [sflag:s10], $0x1400  }
0x24: {  	[sflag:s10] =	ssyncset.done $0x0  }
0x25: {  	[sflag:s10] =	ssyncadd.s32 $0xFFFFEC00  }
0x26: {  	[tilespmem:s11], [sflag:$0x3] =	stream.linear.gather [hbm4b:s7+s22], $0x1400, $0x38;
	[tilespmem:$0x1F000] =	vst v63  }
0x27: {  	_ =	swait.ge [sflag:s10], $0x1400  }
0x28: {  	[sflag:s10] =	ssyncset.done $0x0  }
0x29: {  	[sflag:s10] =	ssyncadd.s32 $0xFFFFEC00  }
0x2a: {  	[tilespmem:s13], [sflag:$0x1] =	stream.indirect.gather [hbm4b:s4+s12], $0x80, s22, s12, $0xb8;
	[tilespmem:$0x1F000] =	vst v63  }
0x2b: {  	s28 =	simm.s32 $0x80  }
0x2c: {  	[tilespmem:s14], [sflag:$0x2] =	stream.indirect.gather [hbm4b:s4+s12], $0x80, s28, s12, $0xb8;
	[tilespmem:$0x1F000] =	vst v63  }
0x2d: {  	_ =	swait.ge [sflag:s15], $0x4000  }
0x2e: {  	[sflag:s15] =	ssyncset.done $0x0  }
0x2f: {  	s29 =	simm.s32 $0x1400;
	[sflag:s15] =	ssyncadd.s32 $0xFFFFC000  }
0x30: {  	[spmem:s2] =	stream.indirect.scatter.add.f32 [tilespmem:s13], [sflag:$0x3], $0x80, s29, s12, $0xb8;
	[tilespmem:$0x1F000] =	vst v63  }
0x31: {  	_ =	swait.ge [sflag:s10], $0x4000  }
0x32: {  	[sflag:s10] =	ssyncset.done $0x0  }
0x33: {  	s30 =	simm.s32 $0x100;
	[sflag:s10] =	ssyncadd.s32 $0xFFFFC000  }
0x34: {  	[tilespmem:s13], [sflag:$0x1] =	stream.indirect.gather [hbm4b:s4+s12], $0x80, s30, s12, $0xb8;
	[tilespmem:$0x1F000] =	vst v63  }
0x35: {  	_ =	swait.ge [sflag:s16], $0x4000  }
0x36: {  	[sflag:s16] =	ssyncset.done $0x0  }
0x37: {  	s31 =	simm.s32 $0x1480;
	[sflag:s16] =	ssyncadd.s32 $0xFFFFC000  }
0x38: {  	[spmem:s2] =	stream.indirect.scatter.add.f32 [tilespmem:s14], [sflag:$0x3], $0x80, s31, s12, $0xb8;
	[tilespmem:$0x1F000] =	vst v63  }
0x39: {  	_ =	swait.ge [sflag:s10], $0x4000  }
0x3a: {  	s23 =	simm.s32 $0x800;
	s22 =	simm.s32 $0x100;
	[sflag:s10] =	ssyncset.done $0x0  }
.LBB2_6:
0x3b: {  	s24 =	sadd.s32 $0x80, s22  }
0x3c: {  	[sflag:s10] =	ssyncadd.s32 $0xFFFFC000;
	s25 =	smov.u32 s23;
	s26 =	sadd.s32 $0x400, s23  }
0x3d: {  	[tilespmem:s14], [sflag:$0x2] =	stream.indirect.gather [hbm4b:s4+s12], $0x80, s24, s12, $0xb8;
	[tilespmem:$0x1F000] =	vst v63  }
0x3e: {  	p0 =	sne.s32 s23, $0x4800;
	_ =	swait.ge [sflag:s15], $0x4000  }
0x3f: {  	[sflag:s15] =	ssyncset.done $0x0  }
0x40: {  	s23 =	sadd.s32 $0x1400, s22;
	[sflag:s15] =	ssyncadd.s32 $0xFFFFC000  }
0x41: {  	[spmem:s2] =	stream.indirect.scatter.add.f32 [tilespmem:s13], [sflag:$0x3], $0x80, s23, s12, $0xb8;
	[tilespmem:$0x1F000] =	vst v63  }
0x42: {  	_ =	swait.ge [sflag:s10], $0x4000  }
0x43: {  	[sflag:s10] =	ssyncset.done $0x0  }
0x44: {  	s23 =	sadd.s32 $0x100, s22;
	[sflag:s10] =	ssyncadd.s32 $0xFFFFC000  }
0x45: {  	[tilespmem:s13], [sflag:$0x1] =	stream.indirect.gather [hbm4b:s4+s12], $0x80, s23, s12, $0xb8;
	[tilespmem:$0x1F000] =	vst v63  }
0x46: {  	_ =	swait.ge [sflag:s16], $0x4000  }
.Ltmp2:
0x47: {  	[sflag:s16] =	ssyncset.done $0x0;
	(pc) =	sbr.rel @p0 .LBB2_6-.Ltmp2, $4  }
0x48: {  	s22 =	sadd.s32 $0x1480, s22;
	[sflag:s16] =	ssyncadd.s32 $0xFFFFC000  }
0x49: {  	[spmem:s2] =	stream.indirect.scatter.add.f32 [tilespmem:s14], [sflag:$0x3], $0x80, s22, s12, $0xb8;
	[tilespmem:$0x1F000] =	vst v63  }
0x4a: {  	_ =	swait.ge [sflag:s10], $0x4000  }
0x4b: {  	s23 =	smov.u32 s26;
	s22 =	sshra.s32 s25, $0x2;
	[sflag:s10] =	ssyncset.done $0x0  }
0x4c: {  	s23 =	sadd.s32 $0x80, s22;
	[sflag:s10] =	ssyncadd.s32 $0xFFFFC000  }
0x4d: {  	[tilespmem:s14], [sflag:$0x2] =	stream.indirect.gather [hbm4b:s4+s12], $0x80, s23, s12, $0xb8;
	[tilespmem:$0x1F000] =	vst v63  }
0x4e: {  	_ =	swait.ge [sflag:s15], $0x4000  }
0x4f: {  	[sflag:s15] =	ssyncset.done $0x0  }
0x50: {  	s30 =	sadd.s32 $0x1400, s22;
	[sflag:s15] =	ssyncadd.s32 $0xFFFFC000  }
0x51: {  	[spmem:s2] =	stream.indirect.scatter.add.f32 [tilespmem:s13], [sflag:$0x3], $0x80, s30, s12, $0xb8;
	[tilespmem:$0x1F000] =	vst v63  }
0x52: {  	_ =	swait.ge [sflag:s10], $0x4000  }
0x53: {  	[sflag:s10] =	ssyncset.done $0x0  }
0x54: {  	s31 =	sadd.s32 $0x100, s22;
	[sflag:s10] =	ssyncadd.s32 $0xFFFFC000  }
0x55: {  	[tilespmem:s13], [sflag:$0x1] =	stream.indirect.gather [hbm4b:s4+s12], $0x80, s31, s12, $0xb8;
	[tilespmem:$0x1F000] =	vst v63  }
0x56: {  	_ =	swait.ge [sflag:s16], $0x4000  }
0x57: {  	[sflag:s16] =	ssyncset.done $0x0  }
0x58: {  	s23 =	sadd.s32 $0x1480, s22;
	[sflag:s16] =	ssyncadd.s32 $0xFFFFC000  }
0x59: {  	[spmem:s2] =	stream.indirect.scatter.add.f32 [tilespmem:s14], [sflag:$0x3], $0x80, s23, s12, $0xb8;
	[tilespmem:$0x1F000] =	vst v63  }
0x5a: {  	_ =	swait.ge [sflag:s10], $0x4000  }
0x5b: {  	[sflag:s10] =	ssyncset.done $0x0  }
0x5c: {  	[sflag:s10] =	ssyncadd.s32 $0xFFFFC000  }
0x5d: {  	[tilespmem:s14], [sflag:$0x2] =	stream.indirect.gather [hbm4b:s4+s12], $0x80, s17, s12, $0xb8;
	[tilespmem:$0x1F000] =	vst v63  }
0x5e: {  	_ =	swait.ge [sflag:s15], $0x4000  }
0x5f: {  	[sflag:s15] =	ssyncset.done $0x0  }
0x60: {  	[sflag:s15] =	ssyncadd.s32 $0xFFFFC000  }
0x61: {  	[spmem:s2] =	stream.indirect.scatter.add.f32 [tilespmem:s13], [sflag:$0x3], $0x80, s18, s12, $0xb8;
	[tilespmem:$0x1F000] =	vst v63  }
0x62: {  	_ =	swait.ge [sflag:s10], $0x4000  }
0x63: {  	[sflag:s10] =	ssyncset.done $0x0  }
0x64: {  	[sflag:s10] =	ssyncadd.s32 $0xFFFFC000  }
0x65: {  	_ =	swait.ge [sflag:s16], $0x4000  }
0x66: {  	[sflag:s16] =	ssyncset.done $0x0  }
0x67: {  	[sflag:s16] =	ssyncadd.s32 $0xFFFFC000  }
0x68: {  	[spmem:s2] =	stream.indirect.scatter.add.f32 [tilespmem:s14], [sflag:$0x3], $0x80, s19, s12, $0xb8;
	[tilespmem:$0x1F000] =	vst v63  }
0x69: {  	_ =	swait.ge [sflag:s10], $0x4000  }
0x6a: {  	[sflag:s10] =	ssyncset.done $0x0  }
0x6b: {  	s24 =	sadd.s32 $0x280, s6;
	s25 =	simm.s32 $0x0;
	[sflag:s10] =	ssyncadd.s32 $0xFFFFC000  }
0x6c: {  	[tilespmem:s25], [sflag:$0x3] =	stream.linear.gather [hbm4b:s24+s25], $0x1400, $0x38;
	[tilespmem:$0x1F000] =	vst v63  }
0x6d: {  	_ =	swait.ge [sflag:s10], $0x1400  }
0x6e: {  	[sflag:s10] =	ssyncset.done $0x0  }
0x6f: {  	s26 =	sadd.s32 $0x280, s7;
	[sflag:s10] =	ssyncadd.s32 $0xFFFFEC00  }
0x70: {  	[tilespmem:s11], [sflag:$0x3] =	stream.linear.gather [hbm4b:s26+s25], $0x1400, $0x38;
	[tilespmem:$0x1F000] =	vst v63  }
0x71: {  	_ =	swait.ge [sflag:s10], $0x1400  }
0x72: {  	[sflag:s10] =	ssyncset.done $0x0  }
0x73: {  	[sflag:s10] =	ssyncadd.s32 $0xFFFFEC00  }
0x74: {  	[tilespmem:s13], [sflag:$0x1] =	stream.indirect.gather [hbm4b:s4+s12], $0x80, s25, s12, $0xb8;
	[tilespmem:$0x1F000] =	vst v63  }
0x75: {  	s28 =	simm.s32 $0x80  }
0x76: {  	[tilespmem:s14], [sflag:$0x2] =	stream.indirect.gather [hbm4b:s4+s12], $0x80, s28, s12, $0xb8;
	[tilespmem:$0x1F000] =	vst v63  }
0x77: {  	_ =	swait.ge [sflag:s15], $0x4000  }
0x78: {  	[sflag:s15] =	ssyncset.done $0x0  }
0x79: {  	s29 =	simm.s32 $0x1400;
	[sflag:s15] =	ssyncadd.s32 $0xFFFFC000  }
0x7a: {  	[spmem:s2] =	stream.indirect.scatter.add.f32 [tilespmem:s13], [sflag:$0x3], $0x80, s29, s12, $0xb8;
	[tilespmem:$0x1F000] =	vst v63  }
0x7b: {  	_ =	swait.ge [sflag:s10], $0x4000  }
0x7c: {  	[sflag:s10] =	ssyncset.done $0x0  }
0x7d: {  	s30 =	simm.s32 $0x100;
	[sflag:s10] =	ssyncadd.s32 $0xFFFFC000  }
0x7e: {  	[tilespmem:s13], [sflag:$0x1] =	stream.indirect.gather [hbm4b:s4+s12], $0x80, s30, s12, $0xb8;
	[tilespmem:$0x1F000] =	vst v63  }
0x7f: {  	_ =	swait.ge [sflag:s16], $0x4000  }
0x80: {  	[sflag:s16] =	ssyncset.done $0x0  }
0x81: {  	s31 =	simm.s32 $0x1480;
	[sflag:s16] =	ssyncadd.s32 $0xFFFFC000  }
0x82: {  	[spmem:s2] =	stream.indirect.scatter.add.f32 [tilespmem:s14], [sflag:$0x3], $0x80, s31, s12, $0xb8;
	[tilespmem:$0x1F000] =	vst v63  }
0x83: {  	_ =	swait.ge [sflag:s10], $0x4000  }
0x84: {  	s22 =	simm.s32 $0x100;
	s23 =	simm.s32 $0x800;
	[sflag:s10] =	ssyncset.done $0x0  }
.LBB2_8:
0x85: {  	s24 =	sadd.s32 $0x80, s22  }
0x86: {  	[sflag:s10] =	ssyncadd.s32 $0xFFFFC000;
	s25 =	smov.u32 s23;
	s26 =	sadd.s32 $0x400, s23  }
0x87: {  	[tilespmem:s14], [sflag:$0x2] =	stream.indirect.gather [hbm4b:s4+s12], $0x80, s24, s12, $0xb8;
	[tilespmem:$0x1F000] =	vst v63  }
0x88: {  	p0 =	sne.s32 s23, $0x4800;
	_ =	swait.ge [sflag:s15], $0x4000  }
0x89: {  	[sflag:s15] =	ssyncset.done $0x0  }
0x8a: {  	s23 =	sadd.s32 $0x1400, s22;
	[sflag:s15] =	ssyncadd.s32 $0xFFFFC000  }
0x8b: {  	[spmem:s2] =	stream.indirect.scatter.add.f32 [tilespmem:s13], [sflag:$0x3], $0x80, s23, s12, $0xb8;
	[tilespmem:$0x1F000] =	vst v63  }
0x8c: {  	_ =	swait.ge [sflag:s10], $0x4000  }
0x8d: {  	[sflag:s10] =	ssyncset.done $0x0  }
0x8e: {  	s23 =	sadd.s32 $0x100, s22;
	[sflag:s10] =	ssyncadd.s32 $0xFFFFC000  }
0x8f: {  	[tilespmem:s13], [sflag:$0x1] =	stream.indirect.gather [hbm4b:s4+s12], $0x80, s23, s12, $0xb8;
	[tilespmem:$0x1F000] =	vst v63  }
0x90: {  	_ =	swait.ge [sflag:s16], $0x4000  }
.Ltmp3:
0x91: {  	[sflag:s16] =	ssyncset.done $0x0;
	(pc) =	sbr.rel @p0 .LBB2_8-.Ltmp3, $4  }
0x92: {  	s22 =	sadd.s32 $0x1480, s22;
	[sflag:s16] =	ssyncadd.s32 $0xFFFFC000  }
0x93: {  	[spmem:s2] =	stream.indirect.scatter.add.f32 [tilespmem:s14], [sflag:$0x3], $0x80, s22, s12, $0xb8;
	[tilespmem:$0x1F000] =	vst v63  }
0x94: {  	_ =	swait.ge [sflag:s10], $0x4000  }
0x95: {  	s23 =	smov.u32 s26;
	s22 =	sshra.s32 s25, $0x2;
	[sflag:s10] =	ssyncset.done $0x0  }
0x96: {  	s23 =	sadd.s32 $0x80, s22;
	[sflag:s10] =	ssyncadd.s32 $0xFFFFC000  }
0x97: {  	[tilespmem:s14], [sflag:$0x2] =	stream.indirect.gather [hbm4b:s4+s12], $0x80, s23, s12, $0xb8;
	[tilespmem:$0x1F000] =	vst v63  }
0x98: {  	_ =	swait.ge [sflag:s15], $0x4000  }
0x99: {  	[sflag:s15] =	ssyncset.done $0x0  }
0x9a: {  	s28 =	sadd.s32 $0x1400, s22;
	[sflag:s15] =	ssyncadd.s32 $0xFFFFC000  }
0x9b: {  	[spmem:s2] =	stream.indirect.scatter.add.f32 [tilespmem:s13], [sflag:$0x3], $0x80, s28, s12, $0xb8;
	[tilespmem:$0x1F000] =	vst v63  }
0x9c: {  	_ =	swait.ge [sflag:s10], $0x4000  }
0x9d: {  	[sflag:s10] =	ssyncset.done $0x0  }
0x9e: {  	s29 =	sadd.s32 $0x100, s22;
	[sflag:s10] =	ssyncadd.s32 $0xFFFFC000  }
0x9f: {  	[tilespmem:s13], [sflag:$0x1] =	stream.indirect.gather [hbm4b:s4+s12], $0x80, s29, s12, $0xb8;
	[tilespmem:$0x1F000] =	vst v63  }
0xa0: {  	_ =	swait.ge [sflag:s16], $0x4000  }
0xa1: {  	[sflag:s16] =	ssyncset.done $0x0  }
0xa2: {  	s30 =	sadd.s32 $0x1480, s22;
	[sflag:s16] =	ssyncadd.s32 $0xFFFFC000  }
0xa3: {  	[spmem:s2] =	stream.indirect.scatter.add.f32 [tilespmem:s14], [sflag:$0x3], $0x80, s30, s12, $0xb8;
	[tilespmem:$0x1F000] =	vst v63  }
0xa4: {  	_ =	swait.ge [sflag:s10], $0x4000  }
0xa5: {  	[sflag:s10] =	ssyncset.done $0x0  }
0xa6: {  	[sflag:s10] =	ssyncadd.s32 $0xFFFFC000  }
0xa7: {  	[tilespmem:s14], [sflag:$0x2] =	stream.indirect.gather [hbm4b:s4+s12], $0x80, s17, s12, $0xb8;
	[tilespmem:$0x1F000] =	vst v63  }
0xa8: {  	_ =	swait.ge [sflag:s15], $0x4000  }
0xa9: {  	[sflag:s15] =	ssyncset.done $0x0  }
0xaa: {  	[sflag:s15] =	ssyncadd.s32 $0xFFFFC000  }
0xab: {  	[spmem:s2] =	stream.indirect.scatter.add.f32 [tilespmem:s13], [sflag:$0x3], $0x80, s18, s12, $0xb8;
	[tilespmem:$0x1F000] =	vst v63  }
0xac: {  	_ =	swait.ge [sflag:s10], $0x4000  }
0xad: {  	[sflag:s10] =	ssyncset.done $0x0  }
0xae: {  	[sflag:s10] =	ssyncadd.s32 $0xFFFFC000  }
0xaf: {  	_ =	swait.ge [sflag:s16], $0x4000  }
0xb0: {  	[sflag:s16] =	ssyncset.done $0x0  }
0xb1: {  	[sflag:s16] =	ssyncadd.s32 $0xFFFFC000  }
0xb2: {  	[spmem:s2] =	stream.indirect.scatter.add.f32 [tilespmem:s14], [sflag:$0x3], $0x80, s19, s12, $0xb8;
	[tilespmem:$0x1F000] =	vst v63  }
0xb3: {  	_ =	swait.ge [sflag:s10], $0x4000  }
0xb4: {  	s3 =	sadd.s32 $0x1, s3;
	[sflag:s10] =	ssyncset.done $0x0  }
0xb5: {  	s31 =	sshll.u32 s0, $0x6;
	p0 =	sne.s32 s3, s8;
	[sflag:s10] =	ssyncadd.s32 $0xFFFFC000  }
.Ltmp4:
0xb6: {  	s22 =	sor.u32 $0x1C03, s31;
	[bflag:$0x0] =	sbarrier.arrive $0xFFFF;
	(pc) =	sbr.rel @p0 .LBB2_1-.Ltmp4, $4  }
0xb7: {  	[hbm:s20], [sflag:s22] =	dma.local [spmem:s21], $0x2800  }
0xb8: {  	_ =	swait.ge [sflag:s10], $0x2800  }
0xb9: {  	[sflag:s10] =	ssyncset.done $0x0  }
0xba: {  	[sflag:s10] =	ssyncadd.s32 $0xFFFFD800  }
0xbb: {  	_ =	sfence.sel $0x180000  }
0xbc: {  	[bflag:$0x0] =	sbarrier.arrive $0xFFFF  }
0xbd: {  	p0 =	sne.s32 s0, $0x0;
	_ =	strace $0x9000004A  }
0xbe: {  	s0 =	sadd.s32 @!p0 $0x100000, s1;
	[bflag:$0x2] =	sbarrier.arrive $0xFFFF  }
0xbf: {  	[sflag:s0] =	ssyncadd.tile.s32 @!p0 $0x1;
	_ =	shalt  }
.Lfunc_end2:
_tile_overlayer_lowered:
.L_overlay_start_2:
0xc0: {  	(tag) =	ssettag $0x2  }
0xc1: {  	s0 =	rddreg [dreg:$0x0];
	s2 =	stileid.u32  }
0xc2: {  	s1 =	rddreg [dreg:$0x1];
	p0 =	sne.s32 s2, $0x0  }
0xc3: {  	s3 =	rddreg [dreg:$0x2];
	[bflag:$0x3] =	sbarrier.arrive $0xFFFF;
	s2 =	simm.s32 @!p0 $0x1C03  }
0xc4: {  	[timem:s3], [sflag:s2] =	dma.local @!p0 [hbm:s0], s1  }
0xc5: {  	s0 =	simm.s32 @!p0 $0x3  }
0xc6: {  	_ =	swait.ge @!p0 [sflag:s0], s1  }
0xc7: {  	s1 =	ssub.s32 @!p0 $0x0, s1;
	[sflag:s0] =	ssyncset.done @!p0 $0x0  }
0xc8: {  	[sflag:s0] =	ssyncadd.s32 @!p0 s1  }
0xc9: {  	[bflag:$0x3] =	sbarrier.arrive $0xFFFF  }
0xca: {  	_ =	shalt  }

// kernel: kernel.14.cloned.1.call-start
scs
__scs_entry_jumppad:
0x0: {  	(pc) =	sbr.rel $0x88, $3  }
0x1: {  	(tag) =	ssettag $0x0;
	lr =	simm.s32 $0x1  }
0x2: {  	[smem:$0x3F9B] =	sst lr;
	_ =	strace $0xD0000000  }
0x3: {  	_ = 	snop  }
0x4: {  	_ = 	snop  }
0x5: {  	_ = 	snop  }
0x6: {  	_ = 	snop  }
0x7: {  	_ = 	snop  }
__scs_overlays_trampoline_lowered:
0x8: {  	[smem:$0x3FAA] =	sst s0  }
0x9: {  	[smem:$0x3FAB] =	sst s1  }
0xa: {  	[smem:$0x3FAC] =	sst s2  }
0xb: {  	[smem:$0x3FAD] =	sst s3  }
0xc: {  	[smem:$0x3FAE] =	sst s4  }
0xd: {  	[smem:$0x3FAF] =	sst s5  }
0xe: {  	[smem:$0x3FB0] =	sst s6  }
0xf: {  	[smem:$0x3FB1] =	sst s7  }
0x10: {  	[smem:$0x3FB2] =	sst s8  }
0x11: {  	[smem:$0x3FB3] =	sst s9;
	s0 =	simm.s32 @!p0 $0x0  }
0x12: {  	s1 =	sld [smem:$0x3F99];
	s0 =	simm.s32 @p0 $0x1  }
0x13: {  	[smem:$0x3FB4] =	sst s0;
	s0 =	simm.s32 @!p1 $0x0  }
0x14: {  	s2 =	sld [smem:$0x3F98];
	s0 =	simm.s32 @p1 $0x1  }
0x15: {  	[smem:$0x3FB5] =	sst s0;
	s0 =	simm.s32 @!p2 $0x0  }
0x16: {  	s3 =	sld [smem:$0x3FDB];
	s0 =	simm.s32 @p2 $0x1  }
0x17: {  	s4 =	simm.s32 $0x1BF5;
	[smem:$0x3FB7] =	sst s0  }
0x18: {  	s0 =	sld [smem:$0x3F9A];
	_ =	swait.ge [sflag:s4], $0x0  }
0x19: {  	s7 =	sld [smem:$0x3F9B]  }
0x1a: {  	s8 =	sadd.s32 $0xFFFFE003, lr  }
0x1b: {  	s9 =	sadd.s32 $0xFFFFFEF7, lr;
	s5 =	simm.s32 $0xFFFFFFFF;
	p2 =	slt.u32 s8, $0xFFFFF086  }
0x1c: {  	p1 =	slt.u32 s9, $0xF7A;
	s5 =	simm.s32 @!p2 $0x0  }
0x1d: {  	s5 =	simm.s32 @p1 $0x1;
	p0 =	seq.s32 s7, s2  }
0x1e: {  	s7 =	smul.u32 @!p0 $0xF7A, s2;
	p2 =	seq.s32 @!p0 s5, $0x0  }
0x1f: {  	s9 =	smul.u32 $0xF7A, s1;
	s8 =	simm.s32 @!p0 $0x1BF5;
	p2 =	por !p2, p0  }
0x20: {  	[sflag:s8] =	ssyncset.s32 @!p0 $0xFFFFF086;
	s6 =	sadd.s32 @!p0 s3, s7;
	s7 =	simm.s32 @!p0 $0x108  }
0x21: {  	s3 =	sadd.s32 s3, s9;
	s6 =	sadd.s32 @!p0 $0x88, s6;
	s7 =	simm.s32 @p2 $0x1082  }
0x22: {  	[simem:s7], [sflag:s8] =	dma.local @!p0 [hbm:s6], $0xF7A  }
0x23: {  	s9 =	sor.u32 $0xD0000000, s2;
	s6 =	simm.s32 $0x108;
	_ =	swait.ge @!p0 [sflag:s8], $0x0  }
0x24: {  	s3 =	sadd.s32 $0x88, s3;
	s6 =	simm.s32 @!p1 $0x1082;
	[sflag:s4] =	ssyncset.s32 $0xFFFFF086  }
0x25: {  	[simem:s6], [sflag:s4] =	dma.local [hbm:s3], $0xF7A  }
0x26: {  	[smem:$0x3F9B] =	sst s1;
	(tag) =	ssettag s2;
	_ =	strace s9  }
0x27: {  	s1 =	sld [smem:$0x3FAB]  }
0x28: {  	s2 =	sld [smem:$0x3FAC]  }
0x29: {  	s4 =	sld [smem:$0x3FAE]  }
0x2a: {  	p0 =	seq.s32 s5, $0x0;
	s5 =	sld [smem:$0x3FAF]  }
0x2b: {  	s6 =	sld [smem:$0x3FB0]  }
0x2c: {  	s7 =	sld [smem:$0x3FB1]  }
0x2d: {  	s3 =	simm.s32 $0x108;
	s8 =	sld [smem:$0x3FB2]  }
0x2e: {  	s3 =	simm.s32 @!p0 $0x1082;
	s9 =	sld [smem:$0x3FB3]  }
0x2f: {  	lr =	sadd.s32 s0, s3;
	s0 =	sld [smem:$0x3FAA]  }
0x30: {  	s3 =	sld [smem:$0x3FAD]  }
0x31: {  	[smem:$0x3FB6] =	sst s10  }
0x32: {  	s10 =	sld [smem:$0x3FB4];
	_ =	sdelay $0x3  }
0x33: {  	p0 =	seq.s32 s10, $0x1;
	s10 =	sld [smem:$0x3FB6];
	_ =	sdelay $0x3  }
0x34: {  	[smem:$0x3FB6] =	sst s10  }
0x35: {  	s10 =	sld [smem:$0x3FB5];
	_ =	sdelay $0x3  }
0x36: {  	p1 =	seq.s32 s10, $0x1;
	s10 =	sld [smem:$0x3FB6];
	_ =	sdelay $0x3  }
0x37: {  	[smem:$0x3FB6] =	sst s10  }
0x38: {  	s10 =	sld [smem:$0x3FB7]  }
0x39: {  	_ = 	snop;
	(pc) =	sbr.ind lr, $3  }
0x3a: {  	_ = 	snop  }
0x3b: {  	_ = 	snop  }
0x3c: {  	p2 =	seq.s32 s10, $0x1;
	s10 =	sld [smem:$0x3FB6]  }
0x3d: {  	_ =	shalt  }
0x3e: {  	_ =	shalt  }
0x3f: {  	_ =	shalt  }
0x40: {  	_ =	shalt  }
0x41: {  	_ =	shalt  }
0x42: {  	_ =	shalt  }
0x43: {  	_ =	shalt  }
0x44: {  	_ =	shalt  }
0x45: {  	_ =	shalt  }
0x46: {  	_ =	shalt  }
0x47: {  	_ =	shalt  }
0x48: {  	_ =	shalt  }
0x49: {  	_ =	shalt  }
0x4a: {  	_ =	shalt  }
0x4b: {  	_ =	shalt  }
0x4c: {  	_ =	shalt  }
0x4d: {  	_ =	shalt  }
0x4e: {  	_ =	shalt  }
0x4f: {  	_ =	shalt  }
0x50: {  	_ =	shalt  }
0x51: {  	_ =	shalt  }
0x52: {  	_ =	shalt  }
0x53: {  	_ =	shalt  }
0x54: {  	_ =	shalt  }
0x55: {  	_ =	shalt  }
0x56: {  	_ =	shalt  }
0x57: {  	_ =	shalt  }
0x58: {  	_ =	shalt  }
0x59: {  	_ =	shalt  }
0x5a: {  	_ =	shalt  }
0x5b: {  	_ =	shalt  }
0x5c: {  	_ =	shalt  }
0x5d: {  	_ =	shalt  }
0x5e: {  	_ =	shalt  }
0x5f: {  	_ =	shalt  }
0x60: {  	_ =	shalt  }
0x61: {  	_ =	shalt  }
0x62: {  	_ =	shalt  }
0x63: {  	_ =	shalt  }
0x64: {  	_ =	shalt  }
0x65: {  	_ =	shalt  }
0x66: {  	_ =	shalt  }
0x67: {  	_ =	shalt  }
0x68: {  	_ =	shalt  }
0x69: {  	_ =	shalt  }
0x6a: {  	_ =	shalt  }
0x6b: {  	_ =	shalt  }
0x6c: {  	_ =	shalt  }
0x6d: {  	_ =	shalt  }
0x6e: {  	_ =	shalt  }
0x6f: {  	_ =	shalt  }
0x70: {  	_ =	shalt  }
0x71: {  	_ =	shalt  }
0x72: {  	_ =	shalt  }
0x73: {  	_ =	shalt  }
0x74: {  	_ =	shalt  }
0x75: {  	_ =	shalt  }
0x76: {  	_ =	shalt  }
0x77: {  	_ =	shalt  }
0x78: {  	_ =	shalt  }
0x79: {  	_ =	shalt  }
0x7a: {  	_ =	shalt  }
0x7b: {  	_ =	shalt  }
0x7c: {  	_ =	shalt  }
0x7d: {  	_ =	shalt  }
0x7e: {  	_ =	shalt  }
0x7f: {  	_ =	shalt  }
0x80: {  	_ =	shalt  }
0x81: {  	_ =	shalt  }
0x82: {  	_ =	shalt  }
0x83: {  	_ =	shalt  }
0x84: {  	_ =	shalt  }
0x85: {  	_ =	shalt  }
0x86: {  	_ =	shalt  }
0x87: {  	_ =	shalt  }
.Lfunc_end0:
.L_simem_size_0:
called_computation.2_lowered:
.L_overlay_start_0:
0x88: {  	s2 =	sld [smem:$0x3FD9]  }
0x89: {  	s3 =	sld [smem:$0x3FFE];
	_ =	sdelay $0x1  }
0x8a: {  	s1 =	srdreg.scid  }
0x8b: {  	s0 =	sand.u32 $0x1, s1  }
0x8c: {  	s17 =	sshll.u32 s0, $0xA;
	s2 =	sadd.s32 s3, s2  }
0x8d: {  	s2 =	sadd.s32 s2, s17  }
0x8e: {  	[smem:$0x3FC2] =	sst s2  }
0x8f: {  	_ = 	snop  }
0x90: {  	s2 =	sld [smem:$0x3FD0];
	(tm) =	ssettm $0x1  }
0x91: {  	s18 =	sld [smem:$0x3FFB];
	_ =	sdelay $0x3  }
0x92: {  	_ =	strace s18  }
0x93: {  	s3 =	sld [smem:$0x3FFC];
	_ =	sdelay $0x3  }
0x94: {  	_ =	strace s3  }
0x95: {  	s3 =	sld [smem:$0x3FFD];
	_ =	sdelay $0x3  }
0x96: {  	_ =	strace s3  }
0x97: {  	_ =	strace $0x8FFFFFFF  }
0x98: {  	s19 =	sld [smem:$0x3FDB];
	_ =	sdelay $0x1  }
0x99: {  	s4 =	simm.s32 $_scs_section_size  }
0x9a: {  	s5 =	simm.s32 $_size__tile_overlayer_lowered;
	s6 =	simm.s32 $_tile_overlayer_lowered  }
0x9b: {  	s22 =	simm.s32 $0x1BFF;
	s21 =	sshll.u32 s6, $0x1;
	s3 =	sadd.s32 s4, s19  }
0x9c: {  	s7 =	simm.s32 $0x0;
	s20 =	sshll.u32 s5, $0x1;
	s5 =	sadd.s32 s21, s3  }
0x9d: {  	[timem:s7], [sflag:s22] =	dma.local [hbm:s5], s20  }
0x9e: {  	_ =	swait.ge [sflag:s22], s20  }
0x9f: {  	s4 =	ssub.s32 $0x0, s20;
	[sflag:s22] =	ssyncset.done $0x0  }
0xa0: {  	[sflag:s22] =	ssyncadd.s32 s4;
	_ =	sdelay $0x1  }
0xa1: {  	s23 =	simm.s32 $0x1B8B  }
0xa2: {  	_ =	swait.ge [sflag:s23], $0x1  }
0xa3: {  	[sflag:s23] =	ssyncset.done $0x0  }
0xa4: {  	s25 =	simm.s32 $0x1B8E;
	s24 =	sld [smem:$0x3FFE];
	[sflag:s23] =	ssyncadd.s32 $0xFFFFFFFF  }
0xa5: {  	s26 =	simm.s32 $execute0_lowered;
	[smem:$0x3FD2] =	sst s25  }
0xa6: {  	s5 =	sshll.u32 s26, $0x1;
	_ =	strace $0x8000004C;
	[dreg:$0x1] =	wrdreg $0xFFFFFFFF  }
0xa7: {  	s28 =	simm.s32 $_size_execute0_lowered;
	s3 =	sadd.s32 s3, s5;
	[dreg:$0x0] =	wrdreg $0x0  }
0xa8: {  	s5 =	sshll.u32 s28, $0x1;
	[dreg:$0x2] =	wrdreg s3  }
0xa9: {  	[dreg:$0x3] =	wrdreg s5  }
0xaa: {  	[dreg:$0x4] =	wrdreg $0xC0  }
0xab: {  	_ =	task [dreg:s7], $0x5FFFF  }
0xac: {  	[dreg:$0x1] =	wrdreg $0xFFFFFFFF  }
0xad: {  	[dreg:$0x0] =	wrdreg $0x60  }
0xae: {  	[dreg:$0x2] =	wrdreg s24  }
0xaf: {  	[dreg:$0x3] =	wrdreg s2  }
0xb0: {  	[dreg:$0x4] =	wrdreg $0x83000  }
0xb1: {  	[dreg:$0x5] =	wrdreg $0x9  }
0xb2: {  	_ =	task.clear_ibuf [dreg:s7], $0x6FFFF;
	_ =	strace $0x9000004C  }
0xb3: {  	s29 =	simm.s32 $0x9;
	_ =	strace $0x8000004E  }
0xb4: {  	_ =	swait.ge [sflag:s29], $0x1  }
0xb5: {  	[sflag:s29] =	ssyncadd.s32 $0xFFFFFFFF  }
0xb6: {  	_ =	strace $0x9000004E  }
0xb7: {  	_ =	sfence  }
0xb8: {  	s30 =	sld [smem:$0x0];
	_ =	sdelay $0x2  }
0xb9: {  	s31 =	sshll.u32 s1, $0xD;
	s1 =	sshrl.u32 s1, $0x2  }
0xba: {  	s3 =	sand.u32 $0x4000, s31;
	s1 =	sadd.s32 s1, s30  }
0xbb: {  	s0 =	sor.u32 s3, s0;
	s1 =	sshll.u32 s1, $0x11  }
0xbc: {  	s0 =	sor.u32 s1, s0  }
0xbd: {  	s0 =	sadd.s32 $0x8F2B, s0  }
0xbe: {  	[sflag:s0] =	ssyncadd.remote.s32 $0x1  }
0xbf: {  	_ =	sfence.sel $0xFFFF  }
0xc0: {  	[dreg:$0x0] =	wrdreg $0xFFFFFFFF;
	(pc) =	sbr.abs _section_cstart, $3  }
0xc1: {  	[dreg:$0x1] =	wrdreg $0xFFFFFFFF  }
0xc2: {  	_ =	task.clear_ibuf [dreg:s7], $0x2FFFF;
	_ =	strace $0x9FFFFFFF  }
0xc3: {  	(tm) =	ssettm $0x7FFFFFFF  }
tec
execute0_lowered:
.L_overlay_start_1:
0x0: {  	(tag) =	ssettag $0x1  }
0x1: {  	s5 =	rddreg [dreg:$0x0]  }
0x2: {  	s6 =	rddreg [dreg:$0x1];
	s1 =	srdreg.scid  }
0x3: {  	s0 =	stileid.u32;
	s2 =	rddreg [dreg:$0x2]  }
0x4: {  	s3 =	simm.s32 $0x0;
	s12 =	simm.s32 $0x80;
	s13 =	simm.s32 $0x5000  }
0x5: {  	s14 =	simm.s32 $0x6800;
	s15 =	simm.s32 $0x1;
	s16 =	simm.s32 $0x2  }
0x6: {  	s17 =	simm.s32 $0x2780;
	s18 =	simm.s32 $0x4F00;
	s19 =	simm.s32 $0x4F80  }
0x7: {  	s7 =	sand.u32 $0x1, s1;
	s1 =	rddreg [dreg:$0x3];
	s11 =	smul.u32 $0x7800, s0  }
0x8: {  	s4 =	sshll.u32 s0, $0x1;
	[smem:$0x7FF] =	sst s3;
	s30 =	smul.u32 $0x1E000, s0  }
0x9: {  	s4 =	sor.u32 s7, s4;
	_ =	strace $0x8000004D;
	s9 =	smul.u32 $0xF000, s7  }
0xa: {  	s7 =	ssub.s32 $0x2, s7;
	s8 =	smul.u32 $0x500, s4;
	s4 =	sadd.s32 $0x16200, s5  }
0xb: {  	s29 =	sshrl.u32 s7, $0x1;
	s21 =	sshrl.u32 s11, $0x3;
	s22 =	sadd.s32 s11, s2  }
0xc: {  	s31 =	sshrl.u32 s30, $0x2;
	s11 =	simm.s32 $0x2800;
	s9 =	sadd.s32 s9, s5  }
0xd: {  	s7 =	ssub.s32 s7, s29;
	s10 =	sadd.s32 s8, s5;
	s6 =	sadd.s32 s6, s8  }
0xe: {  	s20 =	sadd.s32 $0x25200, s9;
	s7 =	smax.u32 s7, $0x1;
	s8 =	sadd.s32 s31, s2  }
0xf: {  	s9 =	simm.s32 $0x8000;
	s5 =	sadd.s32 $0xC200, s10;
	s10 =	simm.s32 $0x3  }
0x10: {  	v0 =	vimm.f32 $0.0e+00;
	s20 =	sadd.s32 s21, s20;
	s21 =	sshrl.u32 s22, $0x3;
	s22 =	simm.s32 $0x0  }
.LBB2_1:
0x11: {  	s23 =	smul.u32 $0xAB, s3;
	_ =	sdelay $0x1  }
0x12: {  	s23 =	sshrl.u32 s23, $0x9  }
0x13: {  	s24 =	sand.u32 $0x7F, s23  }
0x14: {  	s23 =	simm.s32 $0x1;
	s25 =	smul.u32 $0x3, s24  }
0x15: {  	s26 =	smul.u32 $0xAB, s23  }
0x16: {  	s29 =	smul.u32 $0xC0, s24;
	s25 =	ssub.s32 $0x0, s25  }
0x17: {  	s24 =	simm.s32 $0x2;
	s30 =	sand.u32 $0xFF, s25  }
0x18: {  	s28 =	sshrl.u32 s26, $0x9;
	s25 =	sshrl.u32 s29, $0x2;
	s26 =	sshll.u32 s30, $0x4  }
.LBB2_2:
0x19: {  	s29 =	smul.u32 $0xAB, s24;
	s28 =	sand.u32 $0x7F, s28  }
0x1a: {  	s25 =	sadd.s32 s26, s25;
	p0 =	sne.s32 s24, $0x2F;
	s26 =	smul.u32 $0x3, s28  }
.Ltmp0:
0x1b: {  	[tilespmem:s25+$0x8000] =	vst v0;
	(pc) =	sbr.rel @p0 .LBB2_2-.Ltmp0, $4  }
0x1c: {  	s25 =	smul.u32 $0xC0, s28;
	s28 =	smov.u32 s24  }
0x1d: {  	s24 =	sadd.s32 $0x1, s24;
	s23 =	ssub.s32 s23, s26  }
0x1e: {  	s26 =	sand.u32 $0xFF, s23;
	s23 =	smov.u32 s28  }
0x1f: {  	s25 =	sshrl.u32 s25, $0x2;
	s28 =	sshrl.u32 s29, $0x9;
	s26 =	sshll.u32 s26, $0x4  }
0x20: {  	s24 =	sand.u32 $0x7F, s28  }
0x21: {  	s28 =	smul.u32 $0x3, s24;
	_ =	sdelay $0x1  }
0x22: {  	s24 =	smul.u32 $0xC0, s24;
	s23 =	ssub.s32 s23, s28  }
0x23: {  	s23 =	sand.u32 $0xFF, s23  }
0x24: {  	s25 =	sadd.s32 s26, s25;
	s24 =	sshrl.u32 s24, $0x2;
	s23 =	sshll.u32 s23, $0x4  }
0x25: {  	[tilespmem:s25+$0x8000] =	vst v0;
	s23 =	sadd.s32 s23, s24  }
0x26: {  	s31 =	sadd.s32 $0x0, s8;
	[tilespmem:s23+$0x8000] =	vst v0  }
0x27: {  	[spmem:s31] =	stream.linear.scatter [tilespmem:s9], [sflag:$0x3], $0x300, $0x38;
	[tilespmem:$0xFB00] =	vst v63  }
0x28: {  	s23 =	simm.s32 $0xC00;
	_ =	swait.ge [sflag:s10], $0x300  }
.LBB2_4:
0x29: {  	s24 =	sshra.s32 s23, $0x2;
	[sflag:s10] =	ssyncset.done $0x0;
	p0 =	sne.s32 s23, $0x1D400  }
.Ltmp1:
0x2a: {  	s24 =	sadd.s32 s24, s8;
	[sflag:s10] =	ssyncadd.s32 $0xFFFFFD00;
	(pc) =	sbr.rel @p0 .LBB2_4-.Ltmp1, $3  }
0x2b: {  	[spmem:s24] =	stream.linear.scatter [tilespmem:s9], [sflag:$0x3], $0x300, $0x38;
	[tilespmem:$0xFB00] =	vst v63  }
0x2c: {  	s23 =	sadd.s32 $0xC00, s23;
	_ =	sdelay $0x1  }
0x2d: {  	_ =	swait.ge [sflag:s10], $0x300  }
0x2e: {  	[sflag:s10] =	ssyncset.done $0x0  }
0x2f: {  	[sflag:s10] =	ssyncadd.s32 $0xFFFFFD00  }
0x30: {  	s23 =	simm.s32 $0x0;
	[bflag:$0x0] =	sbarrier.arrive $0xFFFF  }
0x31: {  	[tilespmem:s23], [sflag:$0x3] =	stream.linear.gather [hbm4b:s5+s23], $0x2800, $0x38;
	[tilespmem:$0xFB00] =	vst v63  }
0x32: {  	_ =	swait.ge [sflag:s10], $0x2800  }
0x33: {  	[sflag:s10] =	ssyncset.done $0x0  }
0x34: {  	[sflag:s10] =	ssyncadd.s32 $0xFFFFD800  }
0x35: {  	[tilespmem:s11], [sflag:$0x3] =	stream.linear.gather [hbm4b:s6+s23], $0x2800, $0x38;
	[tilespmem:$0xFB00] =	vst v63  }
0x36: {  	_ =	swait.ge [sflag:s10], $0x2800  }
0x37: {  	[sflag:s10] =	ssyncset.done $0x0  }
0x38: {  	[sflag:s10] =	ssyncadd.s32 $0xFFFFD800  }
0x39: {  	[tilespmem:s13], [sflag:$0x1] =	stream.indirect.gather [hbm4b:s4+s12], $0x30, s23, s12, $0xb8;
	[tilespmem:$0xFB00] =	vst v63  }
0x3a: {  	s28 =	simm.s32 $0x80  }
0x3b: {  	[tilespmem:s14], [sflag:$0x2] =	stream.indirect.gather [hbm4b:s4+s12], $0x30, s28, s12, $0xb8;
	[tilespmem:$0xFB00] =	vst v63  }
0x3c: {  	_ =	swait.ge [sflag:s15], $0x1800  }
0x3d: {  	[sflag:s15] =	ssyncset.done $0x0  }
0x3e: {  	s29 =	simm.s32 $0x2800;
	[sflag:s15] =	ssyncadd.s32 $0xFFFFE800  }
0x3f: {  	[spmem:s2] =	stream.indirect.scatter.add.f32 [tilespmem:s13], [sflag:$0x3], $0x30, s29, s12, $0xb8;
	[tilespmem:$0xFB00] =	vst v63  }
0x40: {  	_ =	swait.ge [sflag:s10], $0x1800  }
0x41: {  	[sflag:s10] =	ssyncset.done $0x0  }
0x42: {  	s30 =	simm.s32 $0x100;
	[sflag:s10] =	ssyncadd.s32 $0xFFFFE800  }
0x43: {  	[tilespmem:s13], [sflag:$0x1] =	stream.indirect.gather [hbm4b:s4+s12], $0x30, s30, s12, $0xb8;
	[tilespmem:$0xFB00] =	vst v63  }
0x44: {  	_ =	swait.ge [sflag:s16], $0x1800  }
0x45: {  	[sflag:s16] =	ssyncset.done $0x0  }
0x46: {  	s31 =	simm.s32 $0x2880;
	[sflag:s16] =	ssyncadd.s32 $0xFFFFE800  }
0x47: {  	[spmem:s2] =	stream.indirect.scatter.add.f32 [tilespmem:s14], [sflag:$0x3], $0x30, s31, s12, $0xb8;
	[tilespmem:$0xFB00] =	vst v63  }
0x48: {  	_ =	swait.ge [sflag:s10], $0x1800  }
0x49: {  	s24 =	simm.s32 $0x800;
	s23 =	simm.s32 $0x100;
	[sflag:s10] =	ssyncset.done $0x0  }
.LBB2_6:
0x4a: {  	s25 =	sadd.s32 $0x80, s23  }
0x4b: {  	[sflag:s10] =	ssyncadd.s32 $0xFFFFE800;
	s26 =	smov.u32 s24;
	s28 =	sadd.s32 $0x400, s24  }
0x4c: {  	[tilespmem:s14], [sflag:$0x2] =	stream.indirect.gather [hbm4b:s4+s12], $0x30, s25, s12, $0xb8;
	[tilespmem:$0xFB00] =	vst v63  }
0x4d: {  	p0 =	sne.s32 s24, $0x9800;
	_ =	swait.ge [sflag:s15], $0x1800  }
0x4e: {  	[sflag:s15] =	ssyncset.done $0x0  }
0x4f: {  	s24 =	sadd.s32 $0x2800, s23;
	[sflag:s15] =	ssyncadd.s32 $0xFFFFE800  }
0x50: {  	[spmem:s2] =	stream.indirect.scatter.add.f32 [tilespmem:s13], [sflag:$0x3], $0x30, s24, s12, $0xb8;
	[tilespmem:$0xFB00] =	vst v63  }
0x51: {  	_ =	swait.ge [sflag:s10], $0x1800  }
0x52: {  	[sflag:s10] =	ssyncset.done $0x0  }
0x53: {  	s24 =	sadd.s32 $0x100, s23;
	[sflag:s10] =	ssyncadd.s32 $0xFFFFE800  }
0x54: {  	[tilespmem:s13], [sflag:$0x1] =	stream.indirect.gather [hbm4b:s4+s12], $0x30, s24, s12, $0xb8;
	[tilespmem:$0xFB00] =	vst v63  }
0x55: {  	_ =	swait.ge [sflag:s16], $0x1800  }
.Ltmp2:
0x56: {  	[sflag:s16] =	ssyncset.done $0x0;
	(pc) =	sbr.rel @p0 .LBB2_6-.Ltmp2, $4  }
0x57: {  	s23 =	sadd.s32 $0x2880, s23;
	[sflag:s16] =	ssyncadd.s32 $0xFFFFE800  }
0x58: {  	[spmem:s2] =	stream.indirect.scatter.add.f32 [tilespmem:s14], [sflag:$0x3], $0x30, s23, s12, $0xb8;
	[tilespmem:$0xFB00] =	vst v63  }
0x59: {  	_ =	swait.ge [sflag:s10], $0x1800  }
0x5a: {  	s24 =	smov.u32 s28;
	s23 =	sshra.s32 s26, $0x2;
	[sflag:s10] =	ssyncset.done $0x0  }
0x5b: {  	s24 =	sadd.s32 $0x80, s23;
	[sflag:s10] =	ssyncadd.s32 $0xFFFFE800  }
0x5c: {  	[tilespmem:s14], [sflag:$0x2] =	stream.indirect.gather [hbm4b:s4+s12], $0x30, s24, s12, $0xb8;
	[tilespmem:$0xFB00] =	vst v63  }
0x5d: {  	_ =	swait.ge [sflag:s15], $0x1800  }
0x5e: {  	[sflag:s15] =	ssyncset.done $0x0  }
0x5f: {  	s28 =	sadd.s32 $0x2800, s23;
	[sflag:s15] =	ssyncadd.s32 $0xFFFFE800  }
0x60: {  	[spmem:s2] =	stream.indirect.scatter.add.f32 [tilespmem:s13], [sflag:$0x3], $0x30, s28, s12, $0xb8;
	[tilespmem:$0xFB00] =	vst v63  }
0x61: {  	_ =	swait.ge [sflag:s10], $0x1800  }
0x62: {  	[sflag:s10] =	ssyncset.done $0x0  }
0x63: {  	s29 =	sadd.s32 $0x100, s23;
	[sflag:s10] =	ssyncadd.s32 $0xFFFFE800  }
0x64: {  	[tilespmem:s13], [sflag:$0x1] =	stream.indirect.gather [hbm4b:s4+s12], $0x30, s29, s12, $0xb8;
	[tilespmem:$0xFB00] =	vst v63  }
0x65: {  	_ =	swait.ge [sflag:s16], $0x1800  }
0x66: {  	[sflag:s16] =	ssyncset.done $0x0  }
0x67: {  	s30 =	sadd.s32 $0x2880, s23;
	[sflag:s16] =	ssyncadd.s32 $0xFFFFE800  }
0x68: {  	[spmem:s2] =	stream.indirect.scatter.add.f32 [tilespmem:s14], [sflag:$0x3], $0x30, s30, s12, $0xb8;
	[tilespmem:$0xFB00] =	vst v63  }
0x69: {  	_ =	swait.ge [sflag:s10], $0x1800  }
0x6a: {  	[sflag:s10] =	ssyncset.done $0x0  }
0x6b: {  	[sflag:s10] =	ssyncadd.s32 $0xFFFFE800  }
0x6c: {  	[tilespmem:s14], [sflag:$0x2] =	stream.indirect.gather [hbm4b:s4+s12], $0x30, s17, s12, $0xb8;
	[tilespmem:$0xFB00] =	vst v63  }
0x6d: {  	_ =	swait.ge [sflag:s15], $0x1800  }
0x6e: {  	[sflag:s15] =	ssyncset.done $0x0  }
0x6f: {  	[sflag:s15] =	ssyncadd.s32 $0xFFFFE800  }
0x70: {  	[spmem:s2] =	stream.indirect.scatter.add.f32 [tilespmem:s13], [sflag:$0x3], $0x30, s18, s12, $0xb8;
	[tilespmem:$0xFB00] =	vst v63  }
0x71: {  	_ =	swait.ge [sflag:s10], $0x1800  }
0x72: {  	[sflag:s10] =	ssyncset.done $0x0  }
0x73: {  	[sflag:s10] =	ssyncadd.s32 $0xFFFFE800  }
0x74: {  	_ =	swait.ge [sflag:s16], $0x1800  }
0x75: {  	[sflag:s16] =	ssyncset.done $0x0  }
0x76: {  	[sflag:s16] =	ssyncadd.s32 $0xFFFFE800  }
0x77: {  	[spmem:s2] =	stream.indirect.scatter.add.f32 [tilespmem:s14], [sflag:$0x3], $0x30, s19, s12, $0xb8;
	[tilespmem:$0xFB00] =	vst v63  }
0x78: {  	_ =	swait.ge [sflag:s10], $0x1800  }
0x79: {  	s22 =	sadd.s32 $0x1, s22;
	[sflag:s10] =	ssyncset.done $0x0  }
0x7a: {  	s31 =	sshll.u32 s0, $0x6;
	p0 =	sne.s32 s22, s7;
	[sflag:s10] =	ssyncadd.s32 $0xFFFFE800  }
.Ltmp3:
0x7b: {  	s23 =	sor.u32 $0x1C03, s31;
	[bflag:$0x0] =	sbarrier.arrive $0xFFFF;
	(pc) =	sbr.rel @p0 .LBB2_1-.Ltmp3, $4  }
0x7c: {  	[hbm:s20], [sflag:s23] =	dma.local [spmem:s21], $0xF00  }
0x7d: {  	_ =	swait.ge [sflag:s10], $0xF00  }
0x7e: {  	[sflag:s10] =	ssyncset.done $0x0  }
0x7f: {  	[sflag:s10] =	ssyncadd.s32 $0xFFFFF100  }
0x80: {  	_ =	sfence.sel $0x180000  }
0x81: {  	[bflag:$0x0] =	sbarrier.arrive $0xFFFF  }
0x82: {  	p0 =	sne.s32 s0, $0x0;
	_ =	strace $0x9000004D  }
0x83: {  	s0 =	sadd.s32 @!p0 $0x100000, s1;
	[bflag:$0x2] =	sbarrier.arrive $0xFFFF  }
0x84: {  	[sflag:s0] =	ssyncadd.tile.s32 @!p0 $0x1;
	_ =	shalt  }
.Lfunc_end2:
_tile_overlayer_lowered:
.L_overlay_start_2:
0x85: {  	(tag) =	ssettag $0x2  }
0x86: {  	s0 =	rddreg [dreg:$0x0];
	s2 =	stileid.u32  }
0x87: {  	s1 =	rddreg [dreg:$0x1];
	p0 =	sne.s32 s2, $0x0  }
0x88: {  	s3 =	rddreg [dreg:$0x2];
	[bflag:$0x3] =	sbarrier.arrive $0xFFFF;
	s2 =	simm.s32 @!p0 $0x1C03  }
0x89: {  	[timem:s3], [sflag:s2] =	dma.local @!p0 [hbm:s0], s1  }
0x8a: {  	s0 =	simm.s32 @!p0 $0x3  }
0x8b: {  	_ =	swait.ge @!p0 [sflag:s0], s1  }
0x8c: {  	s1 =	ssub.s32 @!p0 $0x0, s1;
	[sflag:s0] =	ssyncset.done @!p0 $0x0  }
0x8d: {  	[sflag:s0] =	ssyncadd.s32 @!p0 s1  }
0x8e: {  	[bflag:$0x3] =	sbarrier.arrive $0xFFFF  }
0x8f: {  	_ =	shalt  }

// kernel: kernel.8.cloned.1.call-start
scs
__scs_entry_jumppad:
0x0: {  	(pc) =	sbr.rel $0x88, $3  }
0x1: {  	(tag) =	ssettag $0x0;
	lr =	simm.s32 $0x1  }
0x2: {  	[smem:$0x3F9B] =	sst lr;
	_ =	strace $0xD0000000  }
0x3: {  	_ = 	snop  }
0x4: {  	_ = 	snop  }
0x5: {  	_ = 	snop  }
0x6: {  	_ = 	snop  }
0x7: {  	_ = 	snop  }
__scs_overlays_trampoline_lowered:
0x8: {  	[smem:$0x3FAA] =	sst s0  }
0x9: {  	[smem:$0x3FAB] =	sst s1  }
0xa: {  	[smem:$0x3FAC] =	sst s2  }
0xb: {  	[smem:$0x3FAD] =	sst s3  }
0xc: {  	[smem:$0x3FAE] =	sst s4  }
0xd: {  	[smem:$0x3FAF] =	sst s5  }
0xe: {  	[smem:$0x3FB0] =	sst s6  }
0xf: {  	[smem:$0x3FB1] =	sst s7  }
0x10: {  	[smem:$0x3FB2] =	sst s8  }
0x11: {  	[smem:$0x3FB3] =	sst s9;
	s0 =	simm.s32 @!p0 $0x0  }
0x12: {  	s1 =	sld [smem:$0x3F99];
	s0 =	simm.s32 @p0 $0x1  }
0x13: {  	[smem:$0x3FB4] =	sst s0;
	s0 =	simm.s32 @!p1 $0x0  }
0x14: {  	s2 =	sld [smem:$0x3F98];
	s0 =	simm.s32 @p1 $0x1  }
0x15: {  	[smem:$0x3FB5] =	sst s0;
	s0 =	simm.s32 @!p2 $0x0  }
0x16: {  	s3 =	sld [smem:$0x3FDB];
	s0 =	simm.s32 @p2 $0x1  }
0x17: {  	s4 =	simm.s32 $0x1BF5;
	[smem:$0x3FB7] =	sst s0  }
0x18: {  	s0 =	sld [smem:$0x3F9A];
	_ =	swait.ge [sflag:s4], $0x0  }
0x19: {  	s7 =	sld [smem:$0x3F9B]  }
0x1a: {  	s8 =	sadd.s32 $0xFFFFE003, lr  }
0x1b: {  	s9 =	sadd.s32 $0xFFFFFEF7, lr;
	s5 =	simm.s32 $0xFFFFFFFF;
	p2 =	slt.u32 s8, $0xFFFFF086  }
0x1c: {  	p1 =	slt.u32 s9, $0xF7A;
	s5 =	simm.s32 @!p2 $0x0  }
0x1d: {  	s5 =	simm.s32 @p1 $0x1;
	p0 =	seq.s32 s7, s2  }
0x1e: {  	s7 =	smul.u32 @!p0 $0xF7A, s2;
	p2 =	seq.s32 @!p0 s5, $0x0  }
0x1f: {  	s9 =	smul.u32 $0xF7A, s1;
	s8 =	simm.s32 @!p0 $0x1BF5;
	p2 =	por !p2, p0  }
0x20: {  	[sflag:s8] =	ssyncset.s32 @!p0 $0xFFFFF086;
	s6 =	sadd.s32 @!p0 s3, s7;
	s7 =	simm.s32 @!p0 $0x108  }
0x21: {  	s3 =	sadd.s32 s3, s9;
	s6 =	sadd.s32 @!p0 $0x88, s6;
	s7 =	simm.s32 @p2 $0x1082  }
0x22: {  	[simem:s7], [sflag:s8] =	dma.local @!p0 [hbm:s6], $0xF7A  }
0x23: {  	s9 =	sor.u32 $0xD0000000, s2;
	s6 =	simm.s32 $0x108;
	_ =	swait.ge @!p0 [sflag:s8], $0x0  }
0x24: {  	s3 =	sadd.s32 $0x88, s3;
	s6 =	simm.s32 @!p1 $0x1082;
	[sflag:s4] =	ssyncset.s32 $0xFFFFF086  }
0x25: {  	[simem:s6], [sflag:s4] =	dma.local [hbm:s3], $0xF7A  }
0x26: {  	[smem:$0x3F9B] =	sst s1;
	(tag) =	ssettag s2;
	_ =	strace s9  }
0x27: {  	s1 =	sld [smem:$0x3FAB]  }
0x28: {  	s2 =	sld [smem:$0x3FAC]  }
0x29: {  	s4 =	sld [smem:$0x3FAE]  }
0x2a: {  	p0 =	seq.s32 s5, $0x0;
	s5 =	sld [smem:$0x3FAF]  }
0x2b: {  	s6 =	sld [smem:$0x3FB0]  }
0x2c: {  	s7 =	sld [smem:$0x3FB1]  }
0x2d: {  	s3 =	simm.s32 $0x108;
	s8 =	sld [smem:$0x3FB2]  }
0x2e: {  	s3 =	simm.s32 @!p0 $0x1082;
	s9 =	sld [smem:$0x3FB3]  }
0x2f: {  	lr =	sadd.s32 s0, s3;
	s0 =	sld [smem:$0x3FAA]  }
0x30: {  	s3 =	sld [smem:$0x3FAD]  }
0x31: {  	[smem:$0x3FB6] =	sst s10  }
0x32: {  	s10 =	sld [smem:$0x3FB4];
	_ =	sdelay $0x3  }
0x33: {  	p0 =	seq.s32 s10, $0x1;
	s10 =	sld [smem:$0x3FB6];
	_ =	sdelay $0x3  }
0x34: {  	[smem:$0x3FB6] =	sst s10  }
0x35: {  	s10 =	sld [smem:$0x3FB5];
	_ =	sdelay $0x3  }
0x36: {  	p1 =	seq.s32 s10, $0x1;
	s10 =	sld [smem:$0x3FB6];
	_ =	sdelay $0x3  }
0x37: {  	[smem:$0x3FB6] =	sst s10  }
0x38: {  	s10 =	sld [smem:$0x3FB7]  }
0x39: {  	_ = 	snop;
	(pc) =	sbr.ind lr, $3  }
0x3a: {  	_ = 	snop  }
0x3b: {  	_ = 	snop  }
0x3c: {  	p2 =	seq.s32 s10, $0x1;
	s10 =	sld [smem:$0x3FB6]  }
0x3d: {  	_ =	shalt  }
0x3e: {  	_ =	shalt  }
0x3f: {  	_ =	shalt  }
0x40: {  	_ =	shalt  }
0x41: {  	_ =	shalt  }
0x42: {  	_ =	shalt  }
0x43: {  	_ =	shalt  }
0x44: {  	_ =	shalt  }
0x45: {  	_ =	shalt  }
0x46: {  	_ =	shalt  }
0x47: {  	_ =	shalt  }
0x48: {  	_ =	shalt  }
0x49: {  	_ =	shalt  }
0x4a: {  	_ =	shalt  }
0x4b: {  	_ =	shalt  }
0x4c: {  	_ =	shalt  }
0x4d: {  	_ =	shalt  }
0x4e: {  	_ =	shalt  }
0x4f: {  	_ =	shalt  }
0x50: {  	_ =	shalt  }
0x51: {  	_ =	shalt  }
0x52: {  	_ =	shalt  }
0x53: {  	_ =	shalt  }
0x54: {  	_ =	shalt  }
0x55: {  	_ =	shalt  }
0x56: {  	_ =	shalt  }
0x57: {  	_ =	shalt  }
0x58: {  	_ =	shalt  }
0x59: {  	_ =	shalt  }
0x5a: {  	_ =	shalt  }
0x5b: {  	_ =	shalt  }
0x5c: {  	_ =	shalt  }
0x5d: {  	_ =	shalt  }
0x5e: {  	_ =	shalt  }
0x5f: {  	_ =	shalt  }
0x60: {  	_ =	shalt  }
0x61: {  	_ =	shalt  }
0x62: {  	_ =	shalt  }
0x63: {  	_ =	shalt  }
0x64: {  	_ =	shalt  }
0x65: {  	_ =	shalt  }
0x66: {  	_ =	shalt  }
0x67: {  	_ =	shalt  }
0x68: {  	_ =	shalt  }
0x69: {  	_ =	shalt  }
0x6a: {  	_ =	shalt  }
0x6b: {  	_ =	shalt  }
0x6c: {  	_ =	shalt  }
0x6d: {  	_ =	shalt  }
0x6e: {  	_ =	shalt  }
0x6f: {  	_ =	shalt  }
0x70: {  	_ =	shalt  }
0x71: {  	_ =	shalt  }
0x72: {  	_ =	shalt  }
0x73: {  	_ =	shalt  }
0x74: {  	_ =	shalt  }
0x75: {  	_ =	shalt  }
0x76: {  	_ =	shalt  }
0x77: {  	_ =	shalt  }
0x78: {  	_ =	shalt  }
0x79: {  	_ =	shalt  }
0x7a: {  	_ =	shalt  }
0x7b: {  	_ =	shalt  }
0x7c: {  	_ =	shalt  }
0x7d: {  	_ =	shalt  }
0x7e: {  	_ =	shalt  }
0x7f: {  	_ =	shalt  }
0x80: {  	_ =	shalt  }
0x81: {  	_ =	shalt  }
0x82: {  	_ =	shalt  }
0x83: {  	_ =	shalt  }
0x84: {  	_ =	shalt  }
0x85: {  	_ =	shalt  }
0x86: {  	_ =	shalt  }
0x87: {  	_ =	shalt  }
.Lfunc_end0:
.L_simem_size_0:
called_computation_lowered:
.L_overlay_start_0:
0x88: {  	s2 =	sld [smem:$0x3FD9]  }
0x89: {  	s3 =	sld [smem:$0x3FFE];
	_ =	sdelay $0x1  }
0x8a: {  	s1 =	srdreg.scid  }
0x8b: {  	s0 =	sand.u32 $0x1, s1  }
0x8c: {  	s17 =	sshll.u32 s0, $0xA;
	s2 =	sadd.s32 s3, s2  }
0x8d: {  	s2 =	sadd.s32 s2, s17  }
0x8e: {  	[smem:$0x3FC2] =	sst s2  }
0x8f: {  	_ = 	snop  }
0x90: {  	s2 =	sld [smem:$0x3FD0];
	(tm) =	ssettm $0x1  }
0x91: {  	s18 =	sld [smem:$0x3FFB];
	_ =	sdelay $0x3  }
0x92: {  	_ =	strace s18  }
0x93: {  	s3 =	sld [smem:$0x3FFC];
	_ =	sdelay $0x3  }
0x94: {  	_ =	strace s3  }
0x95: {  	s3 =	sld [smem:$0x3FFD];
	_ =	sdelay $0x3  }
0x96: {  	_ =	strace s3  }
0x97: {  	_ =	strace $0x8FFFFFFF  }
0x98: {  	s19 =	sld [smem:$0x3FDB];
	_ =	sdelay $0x1  }
0x99: {  	s4 =	simm.s32 $_scs_section_size  }
0x9a: {  	s5 =	simm.s32 $_size__tile_overlayer_lowered;
	s6 =	simm.s32 $_tile_overlayer_lowered  }
0x9b: {  	s22 =	simm.s32 $0x1BFF;
	s21 =	sshll.u32 s6, $0x1;
	s3 =	sadd.s32 s4, s19  }
0x9c: {  	s7 =	simm.s32 $0x0;
	s20 =	sshll.u32 s5, $0x1;
	s5 =	sadd.s32 s21, s3  }
0x9d: {  	[timem:s7], [sflag:s22] =	dma.local [hbm:s5], s20  }
0x9e: {  	_ =	swait.ge [sflag:s22], s20  }
0x9f: {  	s4 =	ssub.s32 $0x0, s20;
	[sflag:s22] =	ssyncset.done $0x0  }
0xa0: {  	[sflag:s22] =	ssyncadd.s32 s4;
	_ =	sdelay $0x1  }
0xa1: {  	s23 =	simm.s32 $0x1B8B  }
0xa2: {  	_ =	swait.ge [sflag:s23], $0x1  }
0xa3: {  	[sflag:s23] =	ssyncset.done $0x0  }
0xa4: {  	s25 =	simm.s32 $0x1B8E;
	s24 =	sld [smem:$0x3FFE];
	[sflag:s23] =	ssyncadd.s32 $0xFFFFFFFF  }
0xa5: {  	s26 =	simm.s32 $execute0_lowered;
	[smem:$0x3FD2] =	sst s25  }
0xa6: {  	s5 =	sshll.u32 s26, $0x1;
	_ =	strace $0x80000046;
	[dreg:$0x1] =	wrdreg $0xFFFFFFFF  }
0xa7: {  	s28 =	simm.s32 $_size_execute0_lowered;
	s3 =	sadd.s32 s3, s5;
	[dreg:$0x0] =	wrdreg $0x0  }
0xa8: {  	s5 =	sshll.u32 s28, $0x1;
	[dreg:$0x2] =	wrdreg s3  }
0xa9: {  	[dreg:$0x3] =	wrdreg s5  }
0xaa: {  	[dreg:$0x4] =	wrdreg $0xC0  }
0xab: {  	_ =	task [dreg:s7], $0x5FFFF  }
0xac: {  	[dreg:$0x1] =	wrdreg $0xFFFFFFFF  }
0xad: {  	[dreg:$0x0] =	wrdreg $0x60  }
0xae: {  	[dreg:$0x2] =	wrdreg s2  }
0xaf: {  	[dreg:$0x3] =	wrdreg s24  }
0xb0: {  	[dreg:$0x4] =	wrdreg $0x9  }
0xb1: {  	_ =	task.clear_ibuf [dreg:s7], $0x5FFFF;
	_ =	strace $0x90000046  }
0xb2: {  	s29 =	simm.s32 $0x9;
	_ =	strace $0x80000048  }
0xb3: {  	_ =	swait.ge [sflag:s29], $0x1  }
0xb4: {  	[sflag:s29] =	ssyncadd.s32 $0xFFFFFFFF  }
0xb5: {  	_ =	strace $0x90000048  }
0xb6: {  	_ =	sfence  }
0xb7: {  	s30 =	sld [smem:$0x0];
	_ =	sdelay $0x2  }
0xb8: {  	s31 =	sshll.u32 s1, $0xD;
	s1 =	sshrl.u32 s1, $0x2  }
0xb9: {  	s3 =	sand.u32 $0x4000, s31;
	s1 =	sadd.s32 s1, s30  }
0xba: {  	s0 =	sor.u32 s3, s0;
	s1 =	sshll.u32 s1, $0x11  }
0xbb: {  	s0 =	sor.u32 s1, s0  }
0xbc: {  	s0 =	sadd.s32 $0x8F2B, s0  }
0xbd: {  	[sflag:s0] =	ssyncadd.remote.s32 $0x1  }
0xbe: {  	_ =	sfence.sel $0xFFFF  }
0xbf: {  	[dreg:$0x0] =	wrdreg $0xFFFFFFFF;
	(pc) =	sbr.abs _section_cstart, $3  }
0xc0: {  	[dreg:$0x1] =	wrdreg $0xFFFFFFFF  }
0xc1: {  	_ =	task.clear_ibuf [dreg:s7], $0x2FFFF;
	_ =	strace $0x9FFFFFFF  }
0xc2: {  	(tm) =	ssettm $0x7FFFFFFF  }
0xc3: {  	_ =	shalt  }
tec
execute0_lowered:
.L_overlay_start_1:
0x0: {  	(tag) =	ssettag $0x1  }
0x1: {  	s1 =	srdreg.scid;
	s4 =	rddreg [dreg:$0x0]  }
0x2: {  	s0 =	stileid.u32;
	s6 =	rddreg [dreg:$0x1]  }
0x3: {  	s2 =	simm.s32 $0x0;
	s10 =	simm.s32 $0x1;
	s11 =	simm.s32 $0x800  }
0x4: {  	s12 =	simm.s32 $0x80;
	s3 =	sand.u32 $0x1, s1;
	s29 =	sshll.u32 s0, $0x1  }
0x5: {  	s13 =	simm.s32 $0x400;
	s30 =	sshrl.u32 s0, $0x2;
	s5 =	sor.u32 s3, s29  }
0x6: {  	s1 =	rddreg [dreg:$0x2];
	s7 =	smul.u32 $0x14000, s30;
	s8 =	sshll.u32 s5, $0x7  }
0x7: {  	[smem:$0x7FF] =	sst s2;
	s5 =	smul.u32 $0x2800, s5;
	s8 =	sand.u32 $0x380, s8  }
0x8: {  	_ =	strace $0x80000047;
	s3 =	ssub.s32 $0x2, s3;
	s7 =	sor.u32 s7, s8  }
0x9: {  	s31 =	sshrl.u32 s3, $0x1;
	s5 =	sshrl.u32 s5, $0x3;
	s7 =	sshrl.u32 s7, $0x3  }
0xa: {  	s4 =	sadd.s32 s4, s5;
	s6 =	sadd.s32 s7, s6;
	s7 =	ssub.s32 s3, s31  }
0xb: {  	s8 =	sadd.s32 $0x300, s4;
	s9 =	sadd.s32 $0x400, s4;
	s3 =	sadd.s32 $0x2200, s6  }
0xc: {  	v0 =	vimm.f32 $0.0e+00;
	v1 =	vimm.f32 $1.000000000e+00;
	s5 =	smax.u32 s7, $0x1;
	s6 =	sadd.s32 $0x100, s4;
	s7 =	sadd.s32 $0x200, s4  }
.LBB2_1:
0xd: {  	s14 =	simm.s32 $0x40;
	s15 =	simm.s32 $0x0  }
.LBB2_2:
0xe: {  	p0 =	sne.s32 s14, $0x9FC0;
	[tilespmem:s15+$0x800] =	vst v0;
	s15 =	smov.u32 s14;
	s14 =	sadd.s32 $0x40, s14  }
.Ltmp0:
0xf: {  	(pc) =	sbr.rel @p0 .LBB2_2-.Ltmp0, $2  }
0x10: {  	_ =	sdelay $0x2  }
0x11: {  	s15 =	sshra.s32 s15, $0x2  }
0x12: {  	[tilespmem:s15+$0x800] =	vst v0;
	s14 =	simm.s32 $0x0  }
0x13: {  	[tilespmem:s14], [sflag:$0x1] =	stream.linear.gather [hbm4b:s4+s14], $0x800, $0x38;
	[tilespmem:$0x3000] =	vst v63  }
0x14: {  	_ =	swait.ge [sflag:s10], $0x800  }
0x15: {  	[sflag:s10] =	ssyncset.done $0x0  }
0x16: {  	s15 =	simm.s32 $0x0;
	s14 =	simm.s32 $0x40;
	[sflag:s10] =	ssyncadd.s32 $0xFFFFF800  }
.LBB2_4:
0x17: {  	p0 =	sne.s32 s14, $0x1FC0;
	v2 =	vld [tilespmem:s15+$0x0];
	_ =	sdelay $0x3  }
.Ltmp1:
0x18: {  	(pc) =	sbr.rel @p0 .LBB2_4-.Ltmp1, $2  }
0x19: {  	_ =	sdelay $0x2  }
0x1a: {  	s15 =	sshra.s32 s14, $0x2;
	s14 =	sadd.s32 $0x40, s14;
	[tilespmem:v2+s11+$0x0] =	vst.idx.add.f32.msk $0xffff, v1  }
0x1b: {  	v2 =	vld [tilespmem:s15+$0x0];
	_ =	sdelay $0x7  }
0x1c: {  	s14 =	simm.s32 $0x0;
	[tilespmem:v2+s11+$0x0] =	vst.idx.add.f32.msk $0xffff, v1  }
0x1d: {  	[tilespmem:s14], [sflag:$0x1] =	stream.linear.gather [hbm4b:s6+s14], $0x800, $0x38;
	[tilespmem:$0x3000] =	vst v63  }
0x1e: {  	_ =	swait.ge [sflag:s10], $0x800  }
0x1f: {  	[sflag:s10] =	ssyncset.done $0x0  }
0x20: {  	s15 =	simm.s32 $0x0;
	s14 =	simm.s32 $0x40;
	[sflag:s10] =	ssyncadd.s32 $0xFFFFF800  }
.LBB2_6:
0x21: {  	p0 =	sne.s32 s14, $0x1FC0;
	v2 =	vld [tilespmem:s15+$0x0];
	_ =	sdelay $0x3  }
.Ltmp2:
0x22: {  	(pc) =	sbr.rel @p0 .LBB2_6-.Ltmp2, $2  }
0x23: {  	_ =	sdelay $0x2  }
0x24: {  	s15 =	sshra.s32 s14, $0x2;
	s14 =	sadd.s32 $0x40, s14;
	[tilespmem:v2+s11+$0x0] =	vst.idx.add.f32.msk $0xffff, v1  }
0x25: {  	v2 =	vld [tilespmem:s15+$0x0];
	_ =	sdelay $0x7  }
0x26: {  	s14 =	simm.s32 $0x0;
	[tilespmem:v2+s11+$0x0] =	vst.idx.add.f32.msk $0xffff, v1  }
0x27: {  	[tilespmem:s14], [sflag:$0x1] =	stream.linear.gather [hbm4b:s7+s14], $0x800, $0x38;
	[tilespmem:$0x3000] =	vst v63  }
0x28: {  	_ =	swait.ge [sflag:s10], $0x800  }
0x29: {  	[sflag:s10] =	ssyncset.done $0x0  }
0x2a: {  	s15 =	simm.s32 $0x0;
	s14 =	simm.s32 $0x40;
	[sflag:s10] =	ssyncadd.s32 $0xFFFFF800  }
.LBB2_8:
0x2b: {  	p0 =	sne.s32 s14, $0x1FC0;
	v2 =	vld [tilespmem:s15+$0x0];
	_ =	sdelay $0x3  }
.Ltmp3:
0x2c: {  	(pc) =	sbr.rel @p0 .LBB2_8-.Ltmp3, $2  }
0x2d: {  	_ =	sdelay $0x2  }
0x2e: {  	s15 =	sshra.s32 s14, $0x2;
	s14 =	sadd.s32 $0x40, s14;
	[tilespmem:v2+s11+$0x0] =	vst.idx.add.f32.msk $0xffff, v1  }
0x2f: {  	v2 =	vld [tilespmem:s15+$0x0];
	_ =	sdelay $0x7  }
0x30: {  	s14 =	simm.s32 $0x0;
	[tilespmem:v2+s11+$0x0] =	vst.idx.add.f32.msk $0xffff, v1  }
0x31: {  	[tilespmem:s14], [sflag:$0x1] =	stream.linear.gather [hbm4b:s8+s14], $0x800, $0x38;
	[tilespmem:$0x3000] =	vst v63  }
0x32: {  	_ =	swait.ge [sflag:s10], $0x800  }
0x33: {  	[sflag:s10] =	ssyncset.done $0x0  }
0x34: {  	s15 =	simm.s32 $0x0;
	s14 =	simm.s32 $0x40;
	[sflag:s10] =	ssyncadd.s32 $0xFFFFF800  }
.LBB2_10:
0x35: {  	p0 =	sne.s32 s14, $0x1FC0;
	v2 =	vld [tilespmem:s15+$0x0];
	_ =	sdelay $0x3  }
.Ltmp4:
0x36: {  	(pc) =	sbr.rel @p0 .LBB2_10-.Ltmp4, $2  }
0x37: {  	_ =	sdelay $0x2  }
0x38: {  	s15 =	sshra.s32 s14, $0x2;
	s14 =	sadd.s32 $0x40, s14;
	[tilespmem:v2+s11+$0x0] =	vst.idx.add.f32.msk $0xffff, v1  }
0x39: {  	v2 =	vld [tilespmem:s15+$0x0];
	_ =	sdelay $0x7  }
0x3a: {  	s14 =	simm.s32 $0x0;
	[tilespmem:v2+s11+$0x0] =	vst.idx.add.f32.msk $0xffff, v1  }
0x3b: {  	[tilespmem:s14], [sflag:$0x1] =	stream.linear.gather [hbm4b:s9+s14], $0x800, $0x38;
	[tilespmem:$0x3000] =	vst v63  }
0x3c: {  	_ =	swait.ge [sflag:s10], $0x800  }
0x3d: {  	[sflag:s10] =	ssyncset.done $0x0  }
0x3e: {  	s15 =	simm.s32 $0x0;
	s14 =	simm.s32 $0x40;
	[sflag:s10] =	ssyncadd.s32 $0xFFFFF800  }
.LBB2_12:
0x3f: {  	p0 =	sne.s32 s14, $0x1FC0;
	v2 =	vld [tilespmem:s15+$0x0];
	_ =	sdelay $0x3  }
.Ltmp5:
0x40: {  	(pc) =	sbr.rel @p0 .LBB2_12-.Ltmp5, $2  }
0x41: {  	_ =	sdelay $0x2  }
0x42: {  	s15 =	sshra.s32 s14, $0x2;
	s14 =	sadd.s32 $0x40, s14;
	[tilespmem:v2+s11+$0x0] =	vst.idx.add.f32.msk $0xffff, v1  }
0x43: {  	v2 =	vld [tilespmem:s15+$0x0];
	_ =	sdelay $0x5  }
0x44: {  	s2 =	sadd.s32 $0x1, s2  }
0x45: {  	p0 =	sne.s32 s2, s5  }
.Ltmp6:
0x46: {  	[tilespmem:v2+s11+$0x0] =	vst.idx.add.f32.msk $0xffff, v1;
	(pc) =	sbr.rel @p0 .LBB2_1-.Ltmp6, $4  }
0x47: {  	[hbm4b:s3+s12] =	stream.strided.scatter [tilespmem:s11], [sflag:$0x1], $0x2800, s13, s12, $0x38;
	[tilespmem:$0x3000] =	vst v63  }
0x48: {  	_ =	swait.ge [sflag:s10], $0x2800  }
0x49: {  	[sflag:s10] =	ssyncset.done $0x0  }
0x4a: {  	[sflag:s10] =	ssyncadd.s32 $0xFFFFD800  }
0x4b: {  	_ =	sfence.sel $0x180000  }
0x4c: {  	[bflag:$0x0] =	sbarrier.arrive $0xFFFF  }
0x4d: {  	p0 =	sne.s32 s0, $0x0;
	_ =	strace $0x90000047  }
0x4e: {  	s0 =	sadd.s32 @!p0 $0x100000, s1;
	[bflag:$0x2] =	sbarrier.arrive $0xFFFF  }
0x4f: {  	[sflag:s0] =	ssyncadd.tile.s32 @!p0 $0x1;
	_ =	shalt  }
.Lfunc_end2:
_tile_overlayer_lowered:
.L_overlay_start_2:
0x50: {  	(tag) =	ssettag $0x2  }
0x51: {  	s0 =	rddreg [dreg:$0x0];
	s2 =	stileid.u32  }
0x52: {  	s1 =	rddreg [dreg:$0x1];
	p0 =	sne.s32 s2, $0x0  }
0x53: {  	s3 =	rddreg [dreg:$0x2];
	[bflag:$0x3] =	sbarrier.arrive $0xFFFF;
	s2 =	simm.s32 @!p0 $0x1C01  }
0x54: {  	[timem:s3], [sflag:s2] =	dma.local @!p0 [hbm:s0], s1  }
0x55: {  	s0 =	simm.s32 @!p0 $0x1  }
0x56: {  	_ =	swait.ge @!p0 [sflag:s0], s1  }
0x57: {  	s1 =	ssub.s32 @!p0 $0x0, s1;
	[sflag:s0] =	ssyncset.done @!p0 $0x0  }
0x58: {  	[sflag:s0] =	ssyncadd.s32 @!p0 s1  }
0x59: {  	[bflag:$0x3] =	sbarrier.arrive $0xFFFF  }
0x5a: {  	_ =	shalt  }

</sc_bundles>
